<compile_context>
chip_gen: v7x
topology: tpu7x:2x2x1
jax: 0.10.2.dev20260603
libtpu: 0.0.44.dev20260713+nightly
codegen_flags: <defaults>
</compile_context>

<pallas_src>
import jax
import jax.numpy as jnp
from jax import lax
from jax.experimental import pallas as pl
from jax.experimental.pallas import tpu as pltpu
from jax.experimental.pallas import tpu_sc as plsc

_B = 64
_P = 1024
_D = 768
_NC = 2
_NS = 16
_L = 16
_NW = _NC * _NS
_ROWS = _P // _NW
_NBUF = 4
_UNROLL = 8


def _sc_body(x_hbm, t_hbm, o_hbm, tbuf, b0, b1, b2, b3, *sems):
    bufs = (b0, b1, b2, b3)
    lsems = sems[:_NBUF]
    ssems = sems[_NBUF:]
    wid = lax.axis_index("s") * _NC + lax.axis_index("c")
    r0 = wid * _ROWS

    def start_load(b, k):
        pltpu.async_copy(x_hbm.at[b, pl.ds(r0, _ROWS), :], bufs[k], lsems[k])

    def wait_load(k):
        pltpu.make_async_copy(
            x_hbm.at[0, pl.ds(0, _ROWS), :], bufs[k], lsems[k]
        ).wait()

    def start_store(b, k):
        pltpu.async_copy(bufs[k], o_hbm.at[b, pl.ds(r0, _ROWS), :], ssems[k])

    def wait_store(k):
        pltpu.make_async_copy(
            bufs[k], o_hbm.at[0, pl.ds(0, _ROWS), :], ssems[k]
        ).wait()

    for k in range(_NBUF - 1):
        start_load(k, k)
    pltpu.sync_copy(t_hbm.at[pl.ds(r0, _ROWS), :], tbuf)

    def add_chunk(k):
        buf = bufs[k]

        @plsc.parallel_loop(0, _ROWS, step=1)
        def _(r):
            @plsc.parallel_loop(0, _D, step=_L, unroll=_UNROLL)
            def _(c):
                sl = pl.ds(c, _L)
                plsc.addupdate(buf.at[r, sl], tbuf[r, sl])

    def group(g, _):
        for k in range(_NBUF):
            b = g * _NBUF + k
            ka = (k + _NBUF - 1) % _NBUF

            wait_load(k)
            add_chunk(k)
            start_store(b, k)

            @pl.when(b + _NBUF - 1 < _B)
            def _():
                @pl.when(b >= 1)
                def _():
                    wait_store(ka)

                start_load(b + _NBUF - 1, ka)
        return 0

    lax.fori_loop(0, _B // _NBUF, group, 0, unroll=False)

    for k in range(_NBUF):
        wait_store(k)


def kernel(x, table):
    mesh = plsc.VectorSubcoreMesh(core_axis_name="c", subcore_axis_name="s")
    scratch = [pltpu.VMEM((_ROWS, _D), jnp.float32) for _ in range(1 + _NBUF)]
    scratch += [pltpu.SemaphoreType.DMA] * (2 * _NBUF)
    run = pl.kernel(
        _sc_body,
        mesh=mesh,
        out_type=jax.ShapeDtypeStruct((_B, _P, _D), jnp.float32),
        scratch_types=scratch,
        compiler_params=pltpu.CompilerParams(use_tc_tiling_on_sc=True),
    )
    return run(x, table)

# --- scband reference (transcript-rebuilt; emitter-appended) ---
"""Pipeline reference for scband-position-embedding-17686675325193 (READ-ONLY COPY).

The authoritative reference and input builder live on the scoring server;
editing this copy changes nothing except your own understanding.
"""

import jax, jax.numpy as jnp
import numpy as np

NUM_PATCHES = 1024
PROJ_DIM = 768
BATCH = 64

def setup_inputs(seed: int = 0) -> dict:
    key = jax.random.key(seed)
    kx, kt = jax.random.split(key)
    x = jax.random.normal(kx, (BATCH, NUM_PATCHES, PROJ_DIM), dtype=jnp.float32)
    # Embedding table, Keras default uniform init ~ U(-0.05, 0.05)
    table = jax.random.uniform(kt, (NUM_PATCHES, PROJ_DIM), dtype=jnp.float32, minval=-0.05, maxval=0.05)
    return {"x": x, "table": table}

def reference(x, table):
    # positions = tf.range(0, num_patches)
    positions = jnp.arange(0, NUM_PATCHES, dtype=jnp.int32)
    # encoded_positions = Embedding(positions) -> gather rows of table
    encoded_positions = jnp.take(table, positions, axis=0)
    # broadcast add over batch dim
    return x + encoded_positions

if __name__ == "__main__":
    import jax
    _d = setup_inputs()
    print(jax.jit(kernel)(*tuple(_d.values())))

</pallas_src>

<mosaic_0001>
#map = affine_map<(d0, d1) -> (0, 0, 0)>
#map1 = affine_map<(d0, d1) -> (0, 0)>
module attributes {stable_mosaic.version = 14 : i64} {
  func.func @_sc_body(%arg0: i32, %arg1: i32, %arg2: memref<64x1024x768xf32, #tpu.memory_space<hbm>>, %arg3: memref<1024x768xf32, #tpu.memory_space<hbm>>, %arg4: memref<64x1024x768xf32, #tpu.memory_space<hbm>>, %arg5: memref<32x768xf32, #tpu.memory_space<vmem>>, %arg6: memref<32x768xf32, #tpu.memory_space<vmem>>, %arg7: memref<32x768xf32, #tpu.memory_space<vmem>>, %arg8: memref<32x768xf32, #tpu.memory_space<vmem>>, %arg9: memref<32x768xf32, #tpu.memory_space<vmem>>, %arg10: memref<!tpu.dma_semaphore, #tpu.memory_space<semaphore_mem>>, %arg11: memref<!tpu.dma_semaphore, #tpu.memory_space<semaphore_mem>>, %arg12: memref<!tpu.dma_semaphore, #tpu.memory_space<semaphore_mem>>, %arg13: memref<!tpu.dma_semaphore, #tpu.memory_space<semaphore_mem>>, %arg14: memref<!tpu.dma_semaphore, #tpu.memory_space<semaphore_mem>>, %arg15: memref<!tpu.dma_semaphore, #tpu.memory_space<semaphore_mem>>, %arg16: memref<!tpu.dma_semaphore, #tpu.memory_space<semaphore_mem>>, %arg17: memref<!tpu.dma_semaphore, #tpu.memory_space<semaphore_mem>>) attributes {dimension_semantics = [#tpu.dimension_semantics<core_parallel>, #tpu.dimension_semantics<subcore_parallel>], iteration_bounds = array<i64: 2, 16>, scalar_prefetch = 0 : i64, scratch_operands = 13 : i64, tpu.core_type = #tpu.core_type<sc_vector_subcore>, window_params = [{transform_indices = #map}, {transform_indices = #map1}, {transform_indices = #map}]} {
    %mul3A = arith.constant 2 : i32
    %mul3A_0 = arith.muli %arg1, %mul3A : i32
    %add3A = arith.addi %mul3A_0, %arg0 : i32
    %mul3A_1 = arith.constant 32 : i32
    %mul3A_2 = arith.muli %add3A, %mul3A_1 : i32
    %dma_start3A = arith.constant 0 : i32
    %dma_start3A_3 = arith.constant 0 : i32
    %dma_start3A_4 = tpu.memref_slice %arg2[%dma_start3A, %mul3A_2, %dma_start3A_3] : memref<64x1024x768xf32, #tpu.memory_space<hbm>> -> memref<1x32x768xf32, #tpu.memory_space<hbm>>
    %dma_start3A_5 = tpu.memref_squeeze %dma_start3A_4 : memref<1x32x768xf32, #tpu.memory_space<hbm>> -> memref<32x768xf32, #tpu.memory_space<hbm>>
    %dma_start3A_6 = arith.constant 0 : i32
    %dma_start3A_7 = tpu.memref_slice %arg2[%dma_start3A, %mul3A_2, %dma_start3A_6] : memref<64x1024x768xf32, #tpu.memory_space<hbm>> -> memref<1x32x768xf32, #tpu.memory_space<hbm>>
    %dma_start3A_8 = tpu.memref_squeeze %dma_start3A_7 : memref<1x32x768xf32, #tpu.memory_space<hbm>> -> memref<32x768xf32, #tpu.memory_space<hbm>>
    tpu.enqueue_dma source(%dma_start3A_8 : memref<32x768xf32, #tpu.memory_space<hbm>>) target(%arg6 : memref<32x768xf32, #tpu.memory_space<vmem>>) target_semaphore(%arg10 : memref<!tpu.dma_semaphore, #tpu.memory_space<semaphore_mem>>)
    %dma_start3A_9 = arith.constant 1 : i32
    %dma_start3A_10 = arith.constant 0 : i32
    %dma_start3A_11 = tpu.memref_slice %arg2[%dma_start3A_9, %mul3A_2, %dma_start3A_10] : memref<64x1024x768xf32, #tpu.memory_space<hbm>> -> memref<1x32x768xf32, #tpu.memory_space<hbm>>
    %dma_start3A_12 = tpu.memref_squeeze %dma_start3A_11 : memref<1x32x768xf32, #tpu.memory_space<hbm>> -> memref<32x768xf32, #tpu.memory_space<hbm>>
    %dma_start3A_13 = arith.constant 0 : i32
    %dma_start3A_14 = tpu.memref_slice %arg2[%dma_start3A_9, %mul3A_2, %dma_start3A_13] : memref<64x1024x768xf32, #tpu.memory_space<hbm>> -> memref<1x32x768xf32, #tpu.memory_space<hbm>>
    %dma_start3A_15 = tpu.memref_squeeze %dma_start3A_14 : memref<1x32x768xf32, #tpu.memory_space<hbm>> -> memref<32x768xf32, #tpu.memory_space<hbm>>
    tpu.enqueue_dma source(%dma_start3A_15 : memref<32x768xf32, #tpu.memory_space<hbm>>) target(%arg7 : memref<32x768xf32, #tpu.memory_space<vmem>>) target_semaphore(%arg11 : memref<!tpu.dma_semaphore, #tpu.memory_space<semaphore_mem>>)
    %dma_start3A_16 = arith.constant 2 : i32
    %dma_start3A_17 = arith.constant 0 : i32
    %dma_start3A_18 = tpu.memref_slice %arg2[%dma_start3A_16, %mul3A_2, %dma_start3A_17] : memref<64x1024x768xf32, #tpu.memory_space<hbm>> -> memref<1x32x768xf32, #tpu.memory_space<hbm>>
    %dma_start3A_19 = tpu.memref_squeeze %dma_start3A_18 : memref<1x32x768xf32, #tpu.memory_space<hbm>> -> memref<32x768xf32, #tpu.memory_space<hbm>>
    %dma_start3A_20 = arith.constant 0 : i32
    %dma_start3A_21 = tpu.memref_slice %arg2[%dma_start3A_16, %mul3A_2, %dma_start3A_20] : memref<64x1024x768xf32, #tpu.memory_space<hbm>> -> memref<1x32x768xf32, #tpu.memory_space<hbm>>
    %dma_start3A_22 = tpu.memref_squeeze %dma_start3A_21 : memref<1x32x768xf32, #tpu.memory_space<hbm>> -> memref<32x768xf32, #tpu.memory_space<hbm>>
    tpu.enqueue_dma source(%dma_start3A_22 : memref<32x768xf32, #tpu.memory_space<hbm>>) target(%arg8 : memref<32x768xf32, #tpu.memory_space<vmem>>) target_semaphore(%arg12 : memref<!tpu.dma_semaphore, #tpu.memory_space<semaphore_mem>>)
    "tpu.region"() ({
      %run_scoped3A = tpu.sem_alloc : memref<!tpu.dma_semaphore, #tpu.memory_space<semaphore_mem>>
      %dma_start3A_64 = arith.constant 0 : i32
      %dma_start3A_65 = tpu.memref_slice %arg3[%mul3A_2, %dma_start3A_64] : memref<1024x768xf32, #tpu.memory_space<hbm>> -> memref<32x768xf32, #tpu.memory_space<hbm>>
      %dma_start3A_66 = arith.constant 0 : i32
      %dma_start3A_67 = tpu.memref_slice %arg3[%mul3A_2, %dma_start3A_66] : memref<1024x768xf32, #tpu.memory_space<hbm>> -> memref<32x768xf32, #tpu.memory_space<hbm>>
      tpu.enqueue_dma source(%dma_start3A_67 : memref<32x768xf32, #tpu.memory_space<hbm>>) target(%arg5 : memref<32x768xf32, #tpu.memory_space<vmem>>) target_semaphore(%run_scoped3A : memref<!tpu.dma_semaphore, #tpu.memory_space<semaphore_mem>>)
      %dma_wait3A_68 = arith.constant 0 : i32
      %dma_wait3A_69 = tpu.memref_slice %arg3[%mul3A_2, %dma_wait3A_68] : memref<1024x768xf32, #tpu.memory_space<hbm>> -> memref<32x768xf32, #tpu.memory_space<hbm>>
      %dma_wait3A_70 = arith.constant 0 : i32
      %dma_wait3A_71 = tpu.memref_slice %arg3[%mul3A_2, %dma_wait3A_70] : memref<1024x768xf32, #tpu.memory_space<hbm>> -> memref<32x768xf32, #tpu.memory_space<hbm>>
      tpu.wait_dma2 semaphore(%run_scoped3A : memref<!tpu.dma_semaphore, #tpu.memory_space<semaphore_mem>>) src(%dma_wait3A_71 : memref<32x768xf32, #tpu.memory_space<hbm>>) dst(%arg5 : memref<32x768xf32, #tpu.memory_space<vmem>>)
      tpu.yield
    }) : () -> ()
    %scan3A = arith.constant 0 : i32
    %scan3A_23 = arith.constant 0 : i32
    %scan3A_24 = arith.constant 16 : i32
    %scan3A_25 = arith.addi %scan3A_23, %scan3A_24 : i32
    %scan3A_26 = arith.constant 1 : i32
    %scan3A_27 = scf.for %scan3A_64 = %scan3A_23 to %scan3A_25 step %scan3A_26 iter_args(%scan3A_65 = %scan3A) -> (i32)  : i32 {
      %mul3A_66 = arith.constant 4 : i32
      %mul3A_67 = arith.muli %scan3A_64, %mul3A_66 : i32
      %add3A_68 = arith.constant 0 : i32
      %add3A_69 = arith.addi %mul3A_67, %add3A_68 : i32
      %dma_wait3A_70 = arith.constant 0 : i32
      %dma_wait3A_71 = arith.constant 0 : i32
      %dma_wait3A_72 = arith.constant 0 : i32
      %dma_wait3A_73 = tpu.memref_slice %arg2[%dma_wait3A_70, %dma_wait3A_71, %dma_wait3A_72] : memref<64x1024x768xf32, #tpu.memory_space<hbm>> -> memref<1x32x768xf32, #tpu.memory_space<hbm>>
      %dma_wait3A_74 = tpu.memref_squeeze %dma_wait3A_73 : memref<1x32x768xf32, #tpu.memory_space<hbm>> -> memref<32x768xf32, #tpu.memory_space<hbm>>
      %dma_wait3A_75 = arith.constant 0 : i32
      %dma_wait3A_76 = arith.constant 0 : i32
      %dma_wait3A_77 = tpu.memref_slice %arg2[%dma_wait3A_70, %dma_wait3A_75, %dma_wait3A_76] : memref<64x1024x768xf32, #tpu.memory_space<hbm>> -> memref<1x32x768xf32, #tpu.memory_space<hbm>>
      %dma_wait3A_78 = tpu.memref_squeeze %dma_wait3A_77 : memref<1x32x768xf32, #tpu.memory_space<hbm>> -> memref<32x768xf32, #tpu.memory_space<hbm>>
      tpu.wait_dma2 semaphore(%arg10 : memref<!tpu.dma_semaphore, #tpu.memory_space<semaphore_mem>>) src(%dma_wait3A_78 : memref<32x768xf32, #tpu.memory_space<hbm>>) dst(%arg6 : memref<32x768xf32, #tpu.memory_space<vmem>>)
      %parallel_loop3A = arith.constant 0 : i32
      %parallel_loop3A_79 = arith.constant 32 : i32
      %parallel_loop3A_80 = arith.constant 1 : i32
      scf.for %parallel_loop3A_186 = %parallel_loop3A to %parallel_loop3A_79 step %parallel_loop3A_80  : i32 {
        %parallel_loop3A_187 = arith.constant 0 : i32
        %parallel_loop3A_188 = arith.constant 768 : i32
        %parallel_loop3A_189 = arith.constant 16 : i32
        scf.for %parallel_loop3A_190 = %parallel_loop3A_187 to %parallel_loop3A_188 step %parallel_loop3A_189  : i32 {
          %parallel_loop3A_191 = arith.index_cast %parallel_loop3A_186 : i32 to index
          %parallel_loop3A_192 = arith.index_cast %parallel_loop3A_190 : i32 to index
          %parallel_loop3A_193 = tpu.vector_load %arg5[%parallel_loop3A_191, %parallel_loop3A_192] {strides = array<i32>} : memref<32x768xf32, #tpu.memory_space<vmem>>, vector<1x16xf32>,
          %parallel_loop3A_194 = vector.shape_cast %parallel_loop3A_193 : vector<1x16xf32> to vector<16xf32>
          %parallel_loop3A_195 = arith.index_cast %parallel_loop3A_186 : i32 to index
          %parallel_loop3A_196 = arith.index_cast %parallel_loop3A_190 : i32 to index
          %parallel_loop3A_197 = tpu.vector_load %arg6[%parallel_loop3A_195, %parallel_loop3A_196] {strides = array<i32>} : memref<32x768xf32, #tpu.memory_space<vmem>>, vector<1x16xf32>,
          %parallel_loop3A_198 = vector.shape_cast %parallel_loop3A_197 : vector<1x16xf32> to vector<16xf32>
          %parallel_loop3A_199 = vector.shape_cast %parallel_loop3A_194 : vector<16xf32> to vector<1x16xf32>
          tpu.vector_store %arg6[%parallel_loop3A_195, %parallel_loop3A_196], %parallel_loop3A_199 {add = true, strides = array<i32>} : memref<32x768xf32, #tpu.memory_space<vmem>>, vector<1x16xf32>,
        } {sc.loop_unroll_factor = 8 : i64, sc.parallel_access}
      } {sc.loop_unroll_factor = 1 : i64, sc.parallel_access}
      %dma_start3A_81 = arith.constant 0 : i32
      %dma_start3A_82 = tpu.memref_slice %arg4[%add3A_69, %mul3A_2, %dma_start3A_81] : memref<64x1024x768xf32, #tpu.memory_space<hbm>> -> memref<1x32x768xf32, #tpu.memory_space<hbm>>
      %dma_start3A_83 = tpu.memref_squeeze %dma_start3A_82 : memref<1x32x768xf32, #tpu.memory_space<hbm>> -> memref<32x768xf32, #tpu.memory_space<hbm>>
      %dma_start3A_84 = arith.constant 0 : i32
      %dma_start3A_85 = tpu.memref_slice %arg4[%add3A_69, %mul3A_2, %dma_start3A_84] : memref<64x1024x768xf32, #tpu.memory_space<hbm>> -> memref<1x32x768xf32, #tpu.memory_space<hbm>>
      %dma_start3A_86 = tpu.memref_squeeze %dma_start3A_85 : memref<1x32x768xf32, #tpu.memory_space<hbm>> -> memref<32x768xf32, #tpu.memory_space<hbm>>
      tpu.enqueue_dma source(%arg6 : memref<32x768xf32, #tpu.memory_space<vmem>>) target(%dma_start3A_86 : memref<32x768xf32, #tpu.memory_space<hbm>>) target_semaphore(%arg14 : memref<!tpu.dma_semaphore, #tpu.memory_space<semaphore_mem>>)
      %add3A_87 = arith.constant 4 : i32
      %add3A_88 = arith.addi %add3A_69, %add3A_87 : i32
      %sub3A = arith.constant 1 : i32
      %sub3A_89 = arith.subi %add3A_88, %sub3A : i32
      %lt3A = arith.constant 64 : i32
      %lt3A_90 = arith.cmpi slt, %sub3A_89, %lt3A : i32
      %convert_element_type3A = arith.extui %lt3A_90 : i1 to i32
      %cond3A = arith.constant 0 : i32
      %cond3A_91 = arith.cmpi ne, %convert_element_type3A, %cond3A : i32
      scf.if %cond3A_91 {
        %ge3A = arith.constant 1 : i32
        %ge3A_186 = arith.cmpi sge, %add3A_69, %ge3A : i32
        %convert_element_type3A_187 = arith.extui %ge3A_186 : i1 to i32
        %cond3A_188 = arith.constant 0 : i32
        %cond3A_189 = arith.cmpi ne, %convert_element_type3A_187, %cond3A_188 : i32
        scf.if %cond3A_189 {
          %dma_wait3A_200 = arith.constant 0 : i32
          %dma_wait3A_201 = arith.constant 0 : i32
          %dma_wait3A_202 = arith.constant 0 : i32
          %dma_wait3A_203 = tpu.memref_slice %arg4[%dma_wait3A_200, %dma_wait3A_201, %dma_wait3A_202] : memref<64x1024x768xf32, #tpu.memory_space<hbm>> -> memref<1x32x768xf32, #tpu.memory_space<hbm>>
          %dma_wait3A_204 = tpu.memref_squeeze %dma_wait3A_203 : memref<1x32x768xf32, #tpu.memory_space<hbm>> -> memref<32x768xf32, #tpu.memory_space<hbm>>
          %dma_wait3A_205 = arith.constant 0 : i32
          %dma_wait3A_206 = arith.constant 0 : i32
          %dma_wait3A_207 = tpu.memref_slice %arg4[%dma_wait3A_200, %dma_wait3A_205, %dma_wait3A_206] : memref<64x1024x768xf32, #tpu.memory_space<hbm>> -> memref<1x32x768xf32, #tpu.memory_space<hbm>>
          %dma_wait3A_208 = tpu.memref_squeeze %dma_wait3A_207 : memref<1x32x768xf32, #tpu.memory_space<hbm>> -> memref<32x768xf32, #tpu.memory_space<hbm>>
          tpu.wait_dma2 semaphore(%arg17 : memref<!tpu.dma_semaphore, #tpu.memory_space<semaphore_mem>>) src(%arg9 : memref<32x768xf32, #tpu.memory_space<vmem>>) dst(%dma_wait3A_208 : memref<32x768xf32, #tpu.memory_space<hbm>>)
        } else {
        }
        %add3A_190 = arith.constant 4 : i32
        %add3A_191 = arith.addi %add3A_69, %add3A_190 : i32
        %sub3A_192 = arith.constant 1 : i32
        %sub3A_193 = arith.subi %add3A_191, %sub3A_192 : i32
        %dma_start3A_194 = arith.constant 0 : i32
        %dma_start3A_195 = tpu.memref_slice %arg2[%sub3A_193, %mul3A_2, %dma_start3A_194] : memref<64x1024x768xf32, #tpu.memory_space<hbm>> -> memref<1x32x768xf32, #tpu.memory_space<hbm>>
        %dma_start3A_196 = tpu.memref_squeeze %dma_start3A_195 : memref<1x32x768xf32, #tpu.memory_space<hbm>> -> memref<32x768xf32, #tpu.memory_space<hbm>>
        %dma_start3A_197 = arith.constant 0 : i32
        %dma_start3A_198 = tpu.memref_slice %arg2[%sub3A_193, %mul3A_2, %dma_start3A_197] : memref<64x1024x768xf32, #tpu.memory_space<hbm>> -> memref<1x32x768xf32, #tpu.memory_space<hbm>>
        %dma_start3A_199 = tpu.memref_squeeze %dma_start3A_198 : memref<1x32x768xf32, #tpu.memory_space<hbm>> -> memref<32x768xf32, #tpu.memory_space<hbm>>
        tpu.enqueue_dma source(%dma_start3A_199 : memref<32x768xf32, #tpu.memory_space<hbm>>) target(%arg9 : memref<32x768xf32, #tpu.memory_space<vmem>>) target_semaphore(%arg13 : memref<!tpu.dma_semaphore, #tpu.memory_space<semaphore_mem>>)
      } else {
      }
      %mul3A_92 = arith.constant 4 : i32
      %mul3A_93 = arith.muli %scan3A_64, %mul3A_92 : i32
      %add3A_94 = arith.constant 1 : i32
      %add3A_95 = arith.addi %mul3A_93, %add3A_94 : i32
      %dma_wait3A_96 = arith.constant 0 : i32
      %dma_wait3A_97 = arith.constant 0 : i32
      %dma_wait3A_98 = arith.constant 0 : i32
      %dma_wait3A_99 = tpu.memref_slice %arg2[%dma_wait3A_96, %dma_wait3A_97, %dma_wait3A_98] : memref<64x1024x768xf32, #tpu.memory_space<hbm>> -> memref<1x32x768xf32, #tpu.memory_space<hbm>>
      %dma_wait3A_100 = tpu.memref_squeeze %dma_wait3A_99 : memref<1x32x768xf32, #tpu.memory_space<hbm>> -> memref<32x768xf32, #tpu.memory_space<hbm>>
      %dma_wait3A_101 = arith.constant 0 : i32
      %dma_wait3A_102 = arith.constant 0 : i32
      %dma_wait3A_103 = tpu.memref_slice %arg2[%dma_wait3A_96, %dma_wait3A_101, %dma_wait3A_102] : memref<64x1024x768xf32, #tpu.memory_space<hbm>> -> memref<1x32x768xf32, #tpu.memory_space<hbm>>
      %dma_wait3A_104 = tpu.memref_squeeze %dma_wait3A_103 : memref<1x32x768xf32, #tpu.memory_space<hbm>> -> memref<32x768xf32, #tpu.memory_space<hbm>>
      tpu.wait_dma2 semaphore(%arg11 : memref<!tpu.dma_semaphore, #tpu.memory_space<semaphore_mem>>) src(%dma_wait3A_104 : memref<32x768xf32, #tpu.memory_space<hbm>>) dst(%arg7 : memref<32x768xf32, #tpu.memory_space<vmem>>)
      %parallel_loop3A_105 = arith.constant 0 : i32
      %parallel_loop3A_106 = arith.constant 32 : i32
      %parallel_loop3A_107 = arith.constant 1 : i32
      scf.for %parallel_loop3A_186 = %parallel_loop3A_105 to %parallel_loop3A_106 step %parallel_loop3A_107  : i32 {
        %parallel_loop3A_187 = arith.constant 0 : i32
        %parallel_loop3A_188 = arith.constant 768 : i32
        %parallel_loop3A_189 = arith.constant 16 : i32
        scf.for %parallel_loop3A_190 = %parallel_loop3A_187 to %parallel_loop3A_188 step %parallel_loop3A_189  : i32 {
          %parallel_loop3A_191 = arith.index_cast %parallel_loop3A_186 : i32 to index
          %parallel_loop3A_192 = arith.index_cast %parallel_loop3A_190 : i32 to index
          %parallel_loop3A_193 = tpu.vector_load %arg5[%parallel_loop3A_191, %parallel_loop3A_192] {strides = array<i32>} : memref<32x768xf32, #tpu.memory_space<vmem>>, vector<1x16xf32>,
          %parallel_loop3A_194 = vector.shape_cast %parallel_loop3A_193 : vector<1x16xf32> to vector<16xf32>
          %parallel_loop3A_195 = arith.index_cast %parallel_loop3A_186 : i32 to index
          %parallel_loop3A_196 = arith.index_cast %parallel_loop3A_190 : i32 to index
          %parallel_loop3A_197 = tpu.vector_load %arg7[%parallel_loop3A_195, %parallel_loop3A_196] {strides = array<i32>} : memref<32x768xf32, #tpu.memory_space<vmem>>, vector<1x16xf32>,
          %parallel_loop3A_198 = vector.shape_cast %parallel_loop3A_197 : vector<1x16xf32> to vector<16xf32>
          %parallel_loop3A_199 = vector.shape_cast %parallel_loop3A_194 : vector<16xf32> to vector<1x16xf32>
          tpu.vector_store %arg7[%parallel_loop3A_195, %parallel_loop3A_196], %parallel_loop3A_199 {add = true, strides = array<i32>} : memref<32x768xf32, #tpu.memory_space<vmem>>, vector<1x16xf32>,
        } {sc.loop_unroll_factor = 8 : i64, sc.parallel_access}
      } {sc.loop_unroll_factor = 1 : i64, sc.parallel_access}
      %dma_start3A_108 = arith.constant 0 : i32
      %dma_start3A_109 = tpu.memref_slice %arg4[%add3A_95, %mul3A_2, %dma_start3A_108] : memref<64x1024x768xf32, #tpu.memory_space<hbm>> -> memref<1x32x768xf32, #tpu.memory_space<hbm>>
      %dma_start3A_110 = tpu.memref_squeeze %dma_start3A_109 : memref<1x32x768xf32, #tpu.memory_space<hbm>> -> memref<32x768xf32, #tpu.memory_space<hbm>>
      %dma_start3A_111 = arith.constant 0 : i32
      %dma_start3A_112 = tpu.memref_slice %arg4[%add3A_95, %mul3A_2, %dma_start3A_111] : memref<64x1024x768xf32, #tpu.memory_space<hbm>> -> memref<1x32x768xf32, #tpu.memory_space<hbm>>
      %dma_start3A_113 = tpu.memref_squeeze %dma_start3A_112 : memref<1x32x768xf32, #tpu.memory_space<hbm>> -> memref<32x768xf32, #tpu.memory_space<hbm>>
      tpu.enqueue_dma source(%arg7 : memref<32x768xf32, #tpu.memory_space<vmem>>) target(%dma_start3A_113 : memref<32x768xf32, #tpu.memory_space<hbm>>) target_semaphore(%arg15 : memref<!tpu.dma_semaphore, #tpu.memory_space<semaphore_mem>>)
      %add3A_114 = arith.constant 4 : i32
      %add3A_115 = arith.addi %add3A_95, %add3A_114 : i32
      %sub3A_116 = arith.constant 1 : i32
      %sub3A_117 = arith.subi %add3A_115, %sub3A_116 : i32
      %lt3A_118 = arith.constant 64 : i32
      %lt3A_119 = arith.cmpi slt, %sub3A_117, %lt3A_118 : i32
      %convert_element_type3A_120 = arith.extui %lt3A_119 : i1 to i32
      %cond3A_121 = arith.constant 0 : i32
      %cond3A_122 = arith.cmpi ne, %convert_element_type3A_120, %cond3A_121 : i32
      scf.if %cond3A_122 {
        %ge3A = arith.constant 1 : i32
        %ge3A_186 = arith.cmpi sge, %add3A_95, %ge3A : i32
        %convert_element_type3A_187 = arith.extui %ge3A_186 : i1 to i32
        %cond3A_188 = arith.constant 0 : i32
        %cond3A_189 = arith.cmpi ne, %convert_element_type3A_187, %cond3A_188 : i32
        scf.if %cond3A_189 {
          %dma_wait3A_200 = arith.constant 0 : i32
          %dma_wait3A_201 = arith.constant 0 : i32
          %dma_wait3A_202 = arith.constant 0 : i32
          %dma_wait3A_203 = tpu.memref_slice %arg4[%dma_wait3A_200, %dma_wait3A_201, %dma_wait3A_202] : memref<64x1024x768xf32, #tpu.memory_space<hbm>> -> memref<1x32x768xf32, #tpu.memory_space<hbm>>
          %dma_wait3A_204 = tpu.memref_squeeze %dma_wait3A_203 : memref<1x32x768xf32, #tpu.memory_space<hbm>> -> memref<32x768xf32, #tpu.memory_space<hbm>>
          %dma_wait3A_205 = arith.constant 0 : i32
          %dma_wait3A_206 = arith.constant 0 : i32
          %dma_wait3A_207 = tpu.memref_slice %arg4[%dma_wait3A_200, %dma_wait3A_205, %dma_wait3A_206] : memref<64x1024x768xf32, #tpu.memory_space<hbm>> -> memref<1x32x768xf32, #tpu.memory_space<hbm>>
          %dma_wait3A_208 = tpu.memref_squeeze %dma_wait3A_207 : memref<1x32x768xf32, #tpu.memory_space<hbm>> -> memref<32x768xf32, #tpu.memory_space<hbm>>
          tpu.wait_dma2 semaphore(%arg14 : memref<!tpu.dma_semaphore, #tpu.memory_space<semaphore_mem>>) src(%arg6 : memref<32x768xf32, #tpu.memory_space<vmem>>) dst(%dma_wait3A_208 : memref<32x768xf32, #tpu.memory_space<hbm>>)
        } else {
        }
        %add3A_190 = arith.constant 4 : i32
        %add3A_191 = arith.addi %add3A_95, %add3A_190 : i32
        %sub3A_192 = arith.constant 1 : i32
        %sub3A_193 = arith.subi %add3A_191, %sub3A_192 : i32
        %dma_start3A_194 = arith.constant 0 : i32
        %dma_start3A_195 = tpu.memref_slice %arg2[%sub3A_193, %mul3A_2, %dma_start3A_194] : memref<64x1024x768xf32, #tpu.memory_space<hbm>> -> memref<1x32x768xf32, #tpu.memory_space<hbm>>
        %dma_start3A_196 = tpu.memref_squeeze %dma_start3A_195 : memref<1x32x768xf32, #tpu.memory_space<hbm>> -> memref<32x768xf32, #tpu.memory_space<hbm>>
        %dma_start3A_197 = arith.constant 0 : i32
        %dma_start3A_198 = tpu.memref_slice %arg2[%sub3A_193, %mul3A_2, %dma_start3A_197] : memref<64x1024x768xf32, #tpu.memory_space<hbm>> -> memref<1x32x768xf32, #tpu.memory_space<hbm>>
        %dma_start3A_199 = tpu.memref_squeeze %dma_start3A_198 : memref<1x32x768xf32, #tpu.memory_space<hbm>> -> memref<32x768xf32, #tpu.memory_space<hbm>>
        tpu.enqueue_dma source(%dma_start3A_199 : memref<32x768xf32, #tpu.memory_space<hbm>>) target(%arg6 : memref<32x768xf32, #tpu.memory_space<vmem>>) target_semaphore(%arg10 : memref<!tpu.dma_semaphore, #tpu.memory_space<semaphore_mem>>)
      } else {
      }
      %mul3A_123 = arith.constant 4 : i32
      %mul3A_124 = arith.muli %scan3A_64, %mul3A_123 : i32
      %add3A_125 = arith.constant 2 : i32
      %add3A_126 = arith.addi %mul3A_124, %add3A_125 : i32
      %dma_wait3A_127 = arith.constant 0 : i32
      %dma_wait3A_128 = arith.constant 0 : i32
      %dma_wait3A_129 = arith.constant 0 : i32
      %dma_wait3A_130 = tpu.memref_slice %arg2[%dma_wait3A_127, %dma_wait3A_128, %dma_wait3A_129] : memref<64x1024x768xf32, #tpu.memory_space<hbm>> -> memref<1x32x768xf32, #tpu.memory_space<hbm>>
      %dma_wait3A_131 = tpu.memref_squeeze %dma_wait3A_130 : memref<1x32x768xf32, #tpu.memory_space<hbm>> -> memref<32x768xf32, #tpu.memory_space<hbm>>
      %dma_wait3A_132 = arith.constant 0 : i32
      %dma_wait3A_133 = arith.constant 0 : i32
      %dma_wait3A_134 = tpu.memref_slice %arg2[%dma_wait3A_127, %dma_wait3A_132, %dma_wait3A_133] : memref<64x1024x768xf32, #tpu.memory_space<hbm>> -> memref<1x32x768xf32, #tpu.memory_space<hbm>>
      %dma_wait3A_135 = tpu.memref_squeeze %dma_wait3A_134 : memref<1x32x768xf32, #tpu.memory_space<hbm>> -> memref<32x768xf32, #tpu.memory_space<hbm>>
      tpu.wait_dma2 semaphore(%arg12 : memref<!tpu.dma_semaphore, #tpu.memory_space<semaphore_mem>>) src(%dma_wait3A_135 : memref<32x768xf32, #tpu.memory_space<hbm>>) dst(%arg8 : memref<32x768xf32, #tpu.memory_space<vmem>>)
      %parallel_loop3A_136 = arith.constant 0 : i32
      %parallel_loop3A_137 = arith.constant 32 : i32
      %parallel_loop3A_138 = arith.constant 1 : i32
      scf.for %parallel_loop3A_186 = %parallel_loop3A_136 to %parallel_loop3A_137 step %parallel_loop3A_138  : i32 {
        %parallel_loop3A_187 = arith.constant 0 : i32
        %parallel_loop3A_188 = arith.constant 768 : i32
        %parallel_loop3A_189 = arith.constant 16 : i32
        scf.for %parallel_loop3A_190 = %parallel_loop3A_187 to %parallel_loop3A_188 step %parallel_loop3A_189  : i32 {
          %parallel_loop3A_191 = arith.index_cast %parallel_loop3A_186 : i32 to index
          %parallel_loop3A_192 = arith.index_cast %parallel_loop3A_190 : i32 to index
          %parallel_loop3A_193 = tpu.vector_load %arg5[%parallel_loop3A_191, %parallel_loop3A_192] {strides = array<i32>} : memref<32x768xf32, #tpu.memory_space<vmem>>, vector<1x16xf32>,
          %parallel_loop3A_194 = vector.shape_cast %parallel_loop3A_193 : vector<1x16xf32> to vector<16xf32>
          %parallel_loop3A_195 = arith.index_cast %parallel_loop3A_186 : i32 to index
          %parallel_loop3A_196 = arith.index_cast %parallel_loop3A_190 : i32 to index
          %parallel_loop3A_197 = tpu.vector_load %arg8[%parallel_loop3A_195, %parallel_loop3A_196] {strides = array<i32>} : memref<32x768xf32, #tpu.memory_space<vmem>>, vector<1x16xf32>,
          %parallel_loop3A_198 = vector.shape_cast %parallel_loop3A_197 : vector<1x16xf32> to vector<16xf32>
          %parallel_loop3A_199 = vector.shape_cast %parallel_loop3A_194 : vector<16xf32> to vector<1x16xf32>
          tpu.vector_store %arg8[%parallel_loop3A_195, %parallel_loop3A_196], %parallel_loop3A_199 {add = true, strides = array<i32>} : memref<32x768xf32, #tpu.memory_space<vmem>>, vector<1x16xf32>,
        } {sc.loop_unroll_factor = 8 : i64, sc.parallel_access}
      } {sc.loop_unroll_factor = 1 : i64, sc.parallel_access}
      %dma_start3A_139 = arith.constant 0 : i32
      %dma_start3A_140 = tpu.memref_slice %arg4[%add3A_126, %mul3A_2, %dma_start3A_139] : memref<64x1024x768xf32, #tpu.memory_space<hbm>> -> memref<1x32x768xf32, #tpu.memory_space<hbm>>
      %dma_start3A_141 = tpu.memref_squeeze %dma_start3A_140 : memref<1x32x768xf32, #tpu.memory_space<hbm>> -> memref<32x768xf32, #tpu.memory_space<hbm>>
      %dma_start3A_142 = arith.constant 0 : i32
      %dma_start3A_143 = tpu.memref_slice %arg4[%add3A_126, %mul3A_2, %dma_start3A_142] : memref<64x1024x768xf32, #tpu.memory_space<hbm>> -> memref<1x32x768xf32, #tpu.memory_space<hbm>>
      %dma_start3A_144 = tpu.memref_squeeze %dma_start3A_143 : memref<1x32x768xf32, #tpu.memory_space<hbm>> -> memref<32x768xf32, #tpu.memory_space<hbm>>
      tpu.enqueue_dma source(%arg8 : memref<32x768xf32, #tpu.memory_space<vmem>>) target(%dma_start3A_144 : memref<32x768xf32, #tpu.memory_space<hbm>>) target_semaphore(%arg16 : memref<!tpu.dma_semaphore, #tpu.memory_space<semaphore_mem>>)
      %add3A_145 = arith.constant 4 : i32
      %add3A_146 = arith.addi %add3A_126, %add3A_145 : i32
      %sub3A_147 = arith.constant 1 : i32
      %sub3A_148 = arith.subi %add3A_146, %sub3A_147 : i32
      %lt3A_149 = arith.constant 64 : i32
      %lt3A_150 = arith.cmpi slt, %sub3A_148, %lt3A_149 : i32
      %convert_element_type3A_151 = arith.extui %lt3A_150 : i1 to i32
      %cond3A_152 = arith.constant 0 : i32
      %cond3A_153 = arith.cmpi ne, %convert_element_type3A_151, %cond3A_152 : i32
      scf.if %cond3A_153 {
        %ge3A = arith.constant 1 : i32
        %ge3A_186 = arith.cmpi sge, %add3A_126, %ge3A : i32
        %convert_element_type3A_187 = arith.extui %ge3A_186 : i1 to i32
        %cond3A_188 = arith.constant 0 : i32
        %cond3A_189 = arith.cmpi ne, %convert_element_type3A_187, %cond3A_188 : i32
        scf.if %cond3A_189 {
          %dma_wait3A_200 = arith.constant 0 : i32
          %dma_wait3A_201 = arith.constant 0 : i32
          %dma_wait3A_202 = arith.constant 0 : i32
          %dma_wait3A_203 = tpu.memref_slice %arg4[%dma_wait3A_200, %dma_wait3A_201, %dma_wait3A_202] : memref<64x1024x768xf32, #tpu.memory_space<hbm>> -> memref<1x32x768xf32, #tpu.memory_space<hbm>>
          %dma_wait3A_204 = tpu.memref_squeeze %dma_wait3A_203 : memref<1x32x768xf32, #tpu.memory_space<hbm>> -> memref<32x768xf32, #tpu.memory_space<hbm>>
          %dma_wait3A_205 = arith.constant 0 : i32
          %dma_wait3A_206 = arith.constant 0 : i32
          %dma_wait3A_207 = tpu.memref_slice %arg4[%dma_wait3A_200, %dma_wait3A_205, %dma_wait3A_206] : memref<64x1024x768xf32, #tpu.memory_space<hbm>> -> memref<1x32x768xf32, #tpu.memory_space<hbm>>
          %dma_wait3A_208 = tpu.memref_squeeze %dma_wait3A_207 : memref<1x32x768xf32, #tpu.memory_space<hbm>> -> memref<32x768xf32, #tpu.memory_space<hbm>>
          tpu.wait_dma2 semaphore(%arg15 : memref<!tpu.dma_semaphore, #tpu.memory_space<semaphore_mem>>) src(%arg7 : memref<32x768xf32, #tpu.memory_space<vmem>>) dst(%dma_wait3A_208 : memref<32x768xf32, #tpu.memory_space<hbm>>)
        } else {
        }
        %add3A_190 = arith.constant 4 : i32
        %add3A_191 = arith.addi %add3A_126, %add3A_190 : i32
        %sub3A_192 = arith.constant 1 : i32
        %sub3A_193 = arith.subi %add3A_191, %sub3A_192 : i32
        %dma_start3A_194 = arith.constant 0 : i32
        %dma_start3A_195 = tpu.memref_slice %arg2[%sub3A_193, %mul3A_2, %dma_start3A_194] : memref<64x1024x768xf32, #tpu.memory_space<hbm>> -> memref<1x32x768xf32, #tpu.memory_space<hbm>>
        %dma_start3A_196 = tpu.memref_squeeze %dma_start3A_195 : memref<1x32x768xf32, #tpu.memory_space<hbm>> -> memref<32x768xf32, #tpu.memory_space<hbm>>
        %dma_start3A_197 = arith.constant 0 : i32
        %dma_start3A_198 = tpu.memref_slice %arg2[%sub3A_193, %mul3A_2, %dma_start3A_197] : memref<64x1024x768xf32, #tpu.memory_space<hbm>> -> memref<1x32x768xf32, #tpu.memory_space<hbm>>
        %dma_start3A_199 = tpu.memref_squeeze %dma_start3A_198 : memref<1x32x768xf32, #tpu.memory_space<hbm>> -> memref<32x768xf32, #tpu.memory_space<hbm>>
        tpu.enqueue_dma source(%dma_start3A_199 : memref<32x768xf32, #tpu.memory_space<hbm>>) target(%arg7 : memref<32x768xf32, #tpu.memory_space<vmem>>) target_semaphore(%arg11 : memref<!tpu.dma_semaphore, #tpu.memory_space<semaphore_mem>>)
      } else {
      }
      %mul3A_154 = arith.constant 4 : i32
      %mul3A_155 = arith.muli %scan3A_64, %mul3A_154 : i32
      %add3A_156 = arith.constant 3 : i32
      %add3A_157 = arith.addi %mul3A_155, %add3A_156 : i32
      %dma_wait3A_158 = arith.constant 0 : i32
      %dma_wait3A_159 = arith.constant 0 : i32
      %dma_wait3A_160 = arith.constant 0 : i32
      %dma_wait3A_161 = tpu.memref_slice %arg2[%dma_wait3A_158, %dma_wait3A_159, %dma_wait3A_160] : memref<64x1024x768xf32, #tpu.memory_space<hbm>> -> memref<1x32x768xf32, #tpu.memory_space<hbm>>
      %dma_wait3A_162 = tpu.memref_squeeze %dma_wait3A_161 : memref<1x32x768xf32, #tpu.memory_space<hbm>> -> memref<32x768xf32, #tpu.memory_space<hbm>>
      %dma_wait3A_163 = arith.constant 0 : i32
      %dma_wait3A_164 = arith.constant 0 : i32
      %dma_wait3A_165 = tpu.memref_slice %arg2[%dma_wait3A_158, %dma_wait3A_163, %dma_wait3A_164] : memref<64x1024x768xf32, #tpu.memory_space<hbm>> -> memref<1x32x768xf32, #tpu.memory_space<hbm>>
      %dma_wait3A_166 = tpu.memref_squeeze %dma_wait3A_165 : memref<1x32x768xf32, #tpu.memory_space<hbm>> -> memref<32x768xf32, #tpu.memory_space<hbm>>
      tpu.wait_dma2 semaphore(%arg13 : memref<!tpu.dma_semaphore, #tpu.memory_space<semaphore_mem>>) src(%dma_wait3A_166 : memref<32x768xf32, #tpu.memory_space<hbm>>) dst(%arg9 : memref<32x768xf32, #tpu.memory_space<vmem>>)
      %parallel_loop3A_167 = arith.constant 0 : i32
      %parallel_loop3A_168 = arith.constant 32 : i32
      %parallel_loop3A_169 = arith.constant 1 : i32
      scf.for %parallel_loop3A_186 = %parallel_loop3A_167 to %parallel_loop3A_168 step %parallel_loop3A_169  : i32 {
        %parallel_loop3A_187 = arith.constant 0 : i32
        %parallel_loop3A_188 = arith.constant 768 : i32
        %parallel_loop3A_189 = arith.constant 16 : i32
        scf.for %parallel_loop3A_190 = %parallel_loop3A_187 to %parallel_loop3A_188 step %parallel_loop3A_189  : i32 {
          %parallel_loop3A_191 = arith.index_cast %parallel_loop3A_186 : i32 to index
          %parallel_loop3A_192 = arith.index_cast %parallel_loop3A_190 : i32 to index
          %parallel_loop3A_193 = tpu.vector_load %arg5[%parallel_loop3A_191, %parallel_loop3A_192] {strides = array<i32>} : memref<32x768xf32, #tpu.memory_space<vmem>>, vector<1x16xf32>,
          %parallel_loop3A_194 = vector.shape_cast %parallel_loop3A_193 : vector<1x16xf32> to vector<16xf32>
          %parallel_loop3A_195 = arith.index_cast %parallel_loop3A_186 : i32 to index
          %parallel_loop3A_196 = arith.index_cast %parallel_loop3A_190 : i32 to index
          %parallel_loop3A_197 = tpu.vector_load %arg9[%parallel_loop3A_195, %parallel_loop3A_196] {strides = array<i32>} : memref<32x768xf32, #tpu.memory_space<vmem>>, vector<1x16xf32>,
          %parallel_loop3A_198 = vector.shape_cast %parallel_loop3A_197 : vector<1x16xf32> to vector<16xf32>
          %parallel_loop3A_199 = vector.shape_cast %parallel_loop3A_194 : vector<16xf32> to vector<1x16xf32>
          tpu.vector_store %arg9[%parallel_loop3A_195, %parallel_loop3A_196], %parallel_loop3A_199 {add = true, strides = array<i32>} : memref<32x768xf32, #tpu.memory_space<vmem>>, vector<1x16xf32>,
        } {sc.loop_unroll_factor = 8 : i64, sc.parallel_access}
      } {sc.loop_unroll_factor = 1 : i64, sc.parallel_access}
      %dma_start3A_170 = arith.constant 0 : i32
      %dma_start3A_171 = tpu.memref_slice %arg4[%add3A_157, %mul3A_2, %dma_start3A_170] : memref<64x1024x768xf32, #tpu.memory_space<hbm>> -> memref<1x32x768xf32, #tpu.memory_space<hbm>>
      %dma_start3A_172 = tpu.memref_squeeze %dma_start3A_171 : memref<1x32x768xf32, #tpu.memory_space<hbm>> -> memref<32x768xf32, #tpu.memory_space<hbm>>
      %dma_start3A_173 = arith.constant 0 : i32
      %dma_start3A_174 = tpu.memref_slice %arg4[%add3A_157, %mul3A_2, %dma_start3A_173] : memref<64x1024x768xf32, #tpu.memory_space<hbm>> -> memref<1x32x768xf32, #tpu.memory_space<hbm>>
      %dma_start3A_175 = tpu.memref_squeeze %dma_start3A_174 : memref<1x32x768xf32, #tpu.memory_space<hbm>> -> memref<32x768xf32, #tpu.memory_space<hbm>>
      tpu.enqueue_dma source(%arg9 : memref<32x768xf32, #tpu.memory_space<vmem>>) target(%dma_start3A_175 : memref<32x768xf32, #tpu.memory_space<hbm>>) target_semaphore(%arg17 : memref<!tpu.dma_semaphore, #tpu.memory_space<semaphore_mem>>)
      %add3A_176 = arith.constant 4 : i32
      %add3A_177 = arith.addi %add3A_157, %add3A_176 : i32
      %sub3A_178 = arith.constant 1 : i32
      %sub3A_179 = arith.subi %add3A_177, %sub3A_178 : i32
      %lt3A_180 = arith.constant 64 : i32
      %lt3A_181 = arith.cmpi slt, %sub3A_179, %lt3A_180 : i32
      %convert_element_type3A_182 = arith.extui %lt3A_181 : i1 to i32
      %cond3A_183 = arith.constant 0 : i32
      %cond3A_184 = arith.cmpi ne, %convert_element_type3A_182, %cond3A_183 : i32
      scf.if %cond3A_184 {
        %ge3A = arith.constant 1 : i32
        %ge3A_186 = arith.cmpi sge, %add3A_157, %ge3A : i32
        %convert_element_type3A_187 = arith.extui %ge3A_186 : i1 to i32
        %cond3A_188 = arith.constant 0 : i32
        %cond3A_189 = arith.cmpi ne, %convert_element_type3A_187, %cond3A_188 : i32
        scf.if %cond3A_189 {
          %dma_wait3A_200 = arith.constant 0 : i32
          %dma_wait3A_201 = arith.constant 0 : i32
          %dma_wait3A_202 = arith.constant 0 : i32
          %dma_wait3A_203 = tpu.memref_slice %arg4[%dma_wait3A_200, %dma_wait3A_201, %dma_wait3A_202] : memref<64x1024x768xf32, #tpu.memory_space<hbm>> -> memref<1x32x768xf32, #tpu.memory_space<hbm>>
          %dma_wait3A_204 = tpu.memref_squeeze %dma_wait3A_203 : memref<1x32x768xf32, #tpu.memory_space<hbm>> -> memref<32x768xf32, #tpu.memory_space<hbm>>
          %dma_wait3A_205 = arith.constant 0 : i32
          %dma_wait3A_206 = arith.constant 0 : i32
          %dma_wait3A_207 = tpu.memref_slice %arg4[%dma_wait3A_200, %dma_wait3A_205, %dma_wait3A_206] : memref<64x1024x768xf32, #tpu.memory_space<hbm>> -> memref<1x32x768xf32, #tpu.memory_space<hbm>>
          %dma_wait3A_208 = tpu.memref_squeeze %dma_wait3A_207 : memref<1x32x768xf32, #tpu.memory_space<hbm>> -> memref<32x768xf32, #tpu.memory_space<hbm>>
          tpu.wait_dma2 semaphore(%arg16 : memref<!tpu.dma_semaphore, #tpu.memory_space<semaphore_mem>>) src(%arg8 : memref<32x768xf32, #tpu.memory_space<vmem>>) dst(%dma_wait3A_208 : memref<32x768xf32, #tpu.memory_space<hbm>>)
        } else {
        }
        %add3A_190 = arith.constant 4 : i32
        %add3A_191 = arith.addi %add3A_157, %add3A_190 : i32
        %sub3A_192 = arith.constant 1 : i32
        %sub3A_193 = arith.subi %add3A_191, %sub3A_192 : i32
        %dma_start3A_194 = arith.constant 0 : i32
        %dma_start3A_195 = tpu.memref_slice %arg2[%sub3A_193, %mul3A_2, %dma_start3A_194] : memref<64x1024x768xf32, #tpu.memory_space<hbm>> -> memref<1x32x768xf32, #tpu.memory_space<hbm>>
        %dma_start3A_196 = tpu.memref_squeeze %dma_start3A_195 : memref<1x32x768xf32, #tpu.memory_space<hbm>> -> memref<32x768xf32, #tpu.memory_space<hbm>>
        %dma_start3A_197 = arith.constant 0 : i32
        %dma_start3A_198 = tpu.memref_slice %arg2[%sub3A_193, %mul3A_2, %dma_start3A_197] : memref<64x1024x768xf32, #tpu.memory_space<hbm>> -> memref<1x32x768xf32, #tpu.memory_space<hbm>>
        %dma_start3A_199 = tpu.memref_squeeze %dma_start3A_198 : memref<1x32x768xf32, #tpu.memory_space<hbm>> -> memref<32x768xf32, #tpu.memory_space<hbm>>
        tpu.enqueue_dma source(%dma_start3A_199 : memref<32x768xf32, #tpu.memory_space<hbm>>) target(%arg8 : memref<32x768xf32, #tpu.memory_space<vmem>>) target_semaphore(%arg12 : memref<!tpu.dma_semaphore, #tpu.memory_space<semaphore_mem>>)
      } else {
      }
      %scan3A_185 = arith.constant 0 : i32
      scf.yield %scan3A_185 : i32
    }
    %scan3A_28 = arith.constant 16 : i32
    %dma_wait3A = arith.constant 0 : i32
    %dma_wait3A_29 = arith.constant 0 : i32
    %dma_wait3A_30 = arith.constant 0 : i32
    %dma_wait3A_31 = tpu.memref_slice %arg4[%dma_wait3A, %dma_wait3A_29, %dma_wait3A_30] : memref<64x1024x768xf32, #tpu.memory_space<hbm>> -> memref<1x32x768xf32, #tpu.memory_space<hbm>>
    %dma_wait3A_32 = tpu.memref_squeeze %dma_wait3A_31 : memref<1x32x768xf32, #tpu.memory_space<hbm>> -> memref<32x768xf32, #tpu.memory_space<hbm>>
    %dma_wait3A_33 = arith.constant 0 : i32
    %dma_wait3A_34 = arith.constant 0 : i32
    %dma_wait3A_35 = tpu.memref_slice %arg4[%dma_wait3A, %dma_wait3A_33, %dma_wait3A_34] : memref<64x1024x768xf32, #tpu.memory_space<hbm>> -> memref<1x32x768xf32, #tpu.memory_space<hbm>>
    %dma_wait3A_36 = tpu.memref_squeeze %dma_wait3A_35 : memref<1x32x768xf32, #tpu.memory_space<hbm>> -> memref<32x768xf32, #tpu.memory_space<hbm>>
    tpu.wait_dma2 semaphore(%arg14 : memref<!tpu.dma_semaphore, #tpu.memory_space<semaphore_mem>>) src(%arg6 : memref<32x768xf32, #tpu.memory_space<vmem>>) dst(%dma_wait3A_36 : memref<32x768xf32, #tpu.memory_space<hbm>>)
    %dma_wait3A_37 = arith.constant 0 : i32
    %dma_wait3A_38 = arith.constant 0 : i32
    %dma_wait3A_39 = arith.constant 0 : i32
    %dma_wait3A_40 = tpu.memref_slice %arg4[%dma_wait3A_37, %dma_wait3A_38, %dma_wait3A_39] : memref<64x1024x768xf32, #tpu.memory_space<hbm>> -> memref<1x32x768xf32, #tpu.memory_space<hbm>>
    %dma_wait3A_41 = tpu.memref_squeeze %dma_wait3A_40 : memref<1x32x768xf32, #tpu.memory_space<hbm>> -> memref<32x768xf32, #tpu.memory_space<hbm>>
    %dma_wait3A_42 = arith.constant 0 : i32
    %dma_wait3A_43 = arith.constant 0 : i32
    %dma_wait3A_44 = tpu.memref_slice %arg4[%dma_wait3A_37, %dma_wait3A_42, %dma_wait3A_43] : memref<64x1024x768xf32, #tpu.memory_space<hbm>> -> memref<1x32x768xf32, #tpu.memory_space<hbm>>
    %dma_wait3A_45 = tpu.memref_squeeze %dma_wait3A_44 : memref<1x32x768xf32, #tpu.memory_space<hbm>> -> memref<32x768xf32, #tpu.memory_space<hbm>>
    tpu.wait_dma2 semaphore(%arg15 : memref<!tpu.dma_semaphore, #tpu.memory_space<semaphore_mem>>) src(%arg7 : memref<32x768xf32, #tpu.memory_space<vmem>>) dst(%dma_wait3A_45 : memref<32x768xf32, #tpu.memory_space<hbm>>)
    %dma_wait3A_46 = arith.constant 0 : i32
    %dma_wait3A_47 = arith.constant 0 : i32
    %dma_wait3A_48 = arith.constant 0 : i32
    %dma_wait3A_49 = tpu.memref_slice %arg4[%dma_wait3A_46, %dma_wait3A_47, %dma_wait3A_48] : memref<64x1024x768xf32, #tpu.memory_space<hbm>> -> memref<1x32x768xf32, #tpu.memory_space<hbm>>
    %dma_wait3A_50 = tpu.memref_squeeze %dma_wait3A_49 : memref<1x32x768xf32, #tpu.memory_space<hbm>> -> memref<32x768xf32, #tpu.memory_space<hbm>>
    %dma_wait3A_51 = arith.constant 0 : i32
    %dma_wait3A_52 = arith.constant 0 : i32
    %dma_wait3A_53 = tpu.memref_slice %arg4[%dma_wait3A_46, %dma_wait3A_51, %dma_wait3A_52] : memref<64x1024x768xf32, #tpu.memory_space<hbm>> -> memref<1x32x768xf32, #tpu.memory_space<hbm>>
    %dma_wait3A_54 = tpu.memref_squeeze %dma_wait3A_53 : memref<1x32x768xf32, #tpu.memory_space<hbm>> -> memref<32x768xf32, #tpu.memory_space<hbm>>
    tpu.wait_dma2 semaphore(%arg16 : memref<!tpu.dma_semaphore, #tpu.memory_space<semaphore_mem>>) src(%arg8 : memref<32x768xf32, #tpu.memory_space<vmem>>) dst(%dma_wait3A_54 : memref<32x768xf32, #tpu.memory_space<hbm>>)
    %dma_wait3A_55 = arith.constant 0 : i32
    %dma_wait3A_56 = arith.constant 0 : i32
    %dma_wait3A_57 = arith.constant 0 : i32
    %dma_wait3A_58 = tpu.memref_slice %arg4[%dma_wait3A_55, %dma_wait3A_56, %dma_wait3A_57] : memref<64x1024x768xf32, #tpu.memory_space<hbm>> -> memref<1x32x768xf32, #tpu.memory_space<hbm>>
    %dma_wait3A_59 = tpu.memref_squeeze %dma_wait3A_58 : memref<1x32x768xf32, #tpu.memory_space<hbm>> -> memref<32x768xf32, #tpu.memory_space<hbm>>
    %dma_wait3A_60 = arith.constant 0 : i32
    %dma_wait3A_61 = arith.constant 0 : i32
    %dma_wait3A_62 = tpu.memref_slice %arg4[%dma_wait3A_55, %dma_wait3A_60, %dma_wait3A_61] : memref<64x1024x768xf32, #tpu.memory_space<hbm>> -> memref<1x32x768xf32, #tpu.memory_space<hbm>>
    %dma_wait3A_63 = tpu.memref_squeeze %dma_wait3A_62 : memref<1x32x768xf32, #tpu.memory_space<hbm>> -> memref<32x768xf32, #tpu.memory_space<hbm>>
    tpu.wait_dma2 semaphore(%arg17 : memref<!tpu.dma_semaphore, #tpu.memory_space<semaphore_mem>>) src(%arg9 : memref<32x768xf32, #tpu.memory_space<vmem>>) dst(%dma_wait3A_63 : memref<32x768xf32, #tpu.memory_space<hbm>>)
    return
  }
}

</mosaic_0001>

<sc_bundles>
// kernel: kernel.3.cloned.1.call-start
scs
__scs_entry_jumppad:
0x0: {  	(pc) =	sbr.rel $0x88, $3  }
0x1: {  	(tag) =	ssettag $0x0;
	lr =	simm.s32 $0x1  }
0x2: {  	[smem:$0x3F9F] =	sst lr;
	_ =	strace $0xD0000000  }
0x3: {  	_ = 	snop  }
0x4: {  	_ = 	snop  }
0x5: {  	_ = 	snop  }
0x6: {  	_ = 	snop  }
0x7: {  	_ = 	snop  }
__scs_overlays_trampoline_lowered:
0x8: {  	[smem:$0x3FAE] =	sst s0  }
0x9: {  	[smem:$0x3FAF] =	sst s1  }
0xa: {  	[smem:$0x3FB0] =	sst s2  }
0xb: {  	[smem:$0x3FB1] =	sst s3  }
0xc: {  	[smem:$0x3FB2] =	sst s4  }
0xd: {  	[smem:$0x3FB3] =	sst s5  }
0xe: {  	[smem:$0x3FB4] =	sst s6  }
0xf: {  	[smem:$0x3FB5] =	sst s7  }
0x10: {  	[smem:$0x3FB6] =	sst s8  }
0x11: {  	[smem:$0x3FB7] =	sst s9;
	s0 =	simm.s32 @!p0 $0x0  }
0x12: {  	s1 =	sld [smem:$0x3F9D];
	s0 =	simm.s32 @p0 $0x1  }
0x13: {  	[smem:$0x3FB8] =	sst s0;
	s0 =	simm.s32 @!p1 $0x0  }
0x14: {  	s2 =	sld [smem:$0x3F9C];
	s0 =	simm.s32 @p1 $0x1  }
0x15: {  	[smem:$0x3FB9] =	sst s0;
	s0 =	simm.s32 @!p2 $0x0  }
0x16: {  	s3 =	sld [smem:$0x3FDB];
	s0 =	simm.s32 @p2 $0x1  }
0x17: {  	s4 =	simm.s32 $0x1BF5;
	[smem:$0x3FBB] =	sst s0  }
0x18: {  	s0 =	sld [smem:$0x3F9E];
	_ =	swait.ge [sflag:s4], $0x0  }
0x19: {  	s7 =	sld [smem:$0x3F9F]  }
0x1a: {  	s8 =	sadd.s32 $0xFFFFE003, lr  }
0x1b: {  	s9 =	sadd.s32 $0xFFFFFEF7, lr;
	s5 =	simm.s32 $0xFFFFFFFF;
	p2 =	slt.u32 s8, $0xFFFFF086  }
0x1c: {  	p1 =	slt.u32 s9, $0xF7A;
	s5 =	simm.s32 @!p2 $0x0  }
0x1d: {  	s5 =	simm.s32 @p1 $0x1;
	p0 =	seq.s32 s7, s2  }
0x1e: {  	s7 =	smul.u32 @!p0 $0xF7A, s2;
	p2 =	seq.s32 @!p0 s5, $0x0  }
0x1f: {  	s9 =	smul.u32 $0xF7A, s1;
	s8 =	simm.s32 @!p0 $0x1BF5;
	p2 =	por !p2, p0  }
0x20: {  	[sflag:s8] =	ssyncset.s32 @!p0 $0xFFFFF086;
	s6 =	sadd.s32 @!p0 s3, s7;
	s7 =	simm.s32 @!p0 $0x108  }
0x21: {  	s3 =	sadd.s32 s3, s9;
	s6 =	sadd.s32 @!p0 $0x88, s6;
	s7 =	simm.s32 @p2 $0x1082  }
0x22: {  	[simem:s7], [sflag:s8] =	dma.local @!p0 [hbm:s6], $0xF7A  }
0x23: {  	s9 =	sor.u32 $0xD0000000, s2;
	s6 =	simm.s32 $0x108;
	_ =	swait.ge @!p0 [sflag:s8], $0x0  }
0x24: {  	s3 =	sadd.s32 $0x88, s3;
	s6 =	simm.s32 @!p1 $0x1082;
	[sflag:s4] =	ssyncset.s32 $0xFFFFF086  }
0x25: {  	[simem:s6], [sflag:s4] =	dma.local [hbm:s3], $0xF7A  }
0x26: {  	[smem:$0x3F9F] =	sst s1;
	(tag) =	ssettag s2;
	_ =	strace s9  }
0x27: {  	s1 =	sld [smem:$0x3FAF]  }
0x28: {  	s2 =	sld [smem:$0x3FB0]  }
0x29: {  	s4 =	sld [smem:$0x3FB2]  }
0x2a: {  	p0 =	seq.s32 s5, $0x0;
	s5 =	sld [smem:$0x3FB3]  }
0x2b: {  	s6 =	sld [smem:$0x3FB4]  }
0x2c: {  	s7 =	sld [smem:$0x3FB5]  }
0x2d: {  	s3 =	simm.s32 $0x108;
	s8 =	sld [smem:$0x3FB6]  }
0x2e: {  	s3 =	simm.s32 @!p0 $0x1082;
	s9 =	sld [smem:$0x3FB7]  }
0x2f: {  	lr =	sadd.s32 s0, s3;
	s0 =	sld [smem:$0x3FAE]  }
0x30: {  	s3 =	sld [smem:$0x3FB1]  }
0x31: {  	[smem:$0x3FBA] =	sst s10  }
0x32: {  	s10 =	sld [smem:$0x3FB8];
	_ =	sdelay $0x3  }
0x33: {  	p0 =	seq.s32 s10, $0x1;
	s10 =	sld [smem:$0x3FBA];
	_ =	sdelay $0x3  }
0x34: {  	[smem:$0x3FBA] =	sst s10  }
0x35: {  	s10 =	sld [smem:$0x3FB9];
	_ =	sdelay $0x3  }
0x36: {  	p1 =	seq.s32 s10, $0x1;
	s10 =	sld [smem:$0x3FBA];
	_ =	sdelay $0x3  }
0x37: {  	[smem:$0x3FBA] =	sst s10  }
0x38: {  	s10 =	sld [smem:$0x3FBB]  }
0x39: {  	_ = 	snop;
	(pc) =	sbr.ind lr, $3  }
0x3a: {  	_ = 	snop  }
0x3b: {  	_ = 	snop  }
0x3c: {  	p2 =	seq.s32 s10, $0x1;
	s10 =	sld [smem:$0x3FBA]  }
0x3d: {  	_ =	shalt  }
0x3e: {  	_ =	shalt  }
0x3f: {  	_ =	shalt  }
0x40: {  	_ =	shalt  }
0x41: {  	_ =	shalt  }
0x42: {  	_ =	shalt  }
0x43: {  	_ =	shalt  }
0x44: {  	_ =	shalt  }
0x45: {  	_ =	shalt  }
0x46: {  	_ =	shalt  }
0x47: {  	_ =	shalt  }
0x48: {  	_ =	shalt  }
0x49: {  	_ =	shalt  }
0x4a: {  	_ =	shalt  }
0x4b: {  	_ =	shalt  }
0x4c: {  	_ =	shalt  }
0x4d: {  	_ =	shalt  }
0x4e: {  	_ =	shalt  }
0x4f: {  	_ =	shalt  }
0x50: {  	_ =	shalt  }
0x51: {  	_ =	shalt  }
0x52: {  	_ =	shalt  }
0x53: {  	_ =	shalt  }
0x54: {  	_ =	shalt  }
0x55: {  	_ =	shalt  }
0x56: {  	_ =	shalt  }
0x57: {  	_ =	shalt  }
0x58: {  	_ =	shalt  }
0x59: {  	_ =	shalt  }
0x5a: {  	_ =	shalt  }
0x5b: {  	_ =	shalt  }
0x5c: {  	_ =	shalt  }
0x5d: {  	_ =	shalt  }
0x5e: {  	_ =	shalt  }
0x5f: {  	_ =	shalt  }
0x60: {  	_ =	shalt  }
0x61: {  	_ =	shalt  }
0x62: {  	_ =	shalt  }
0x63: {  	_ =	shalt  }
0x64: {  	_ =	shalt  }
0x65: {  	_ =	shalt  }
0x66: {  	_ =	shalt  }
0x67: {  	_ =	shalt  }
0x68: {  	_ =	shalt  }
0x69: {  	_ =	shalt  }
0x6a: {  	_ =	shalt  }
0x6b: {  	_ =	shalt  }
0x6c: {  	_ =	shalt  }
0x6d: {  	_ =	shalt  }
0x6e: {  	_ =	shalt  }
0x6f: {  	_ =	shalt  }
0x70: {  	_ =	shalt  }
0x71: {  	_ =	shalt  }
0x72: {  	_ =	shalt  }
0x73: {  	_ =	shalt  }
0x74: {  	_ =	shalt  }
0x75: {  	_ =	shalt  }
0x76: {  	_ =	shalt  }
0x77: {  	_ =	shalt  }
0x78: {  	_ =	shalt  }
0x79: {  	_ =	shalt  }
0x7a: {  	_ =	shalt  }
0x7b: {  	_ =	shalt  }
0x7c: {  	_ =	shalt  }
0x7d: {  	_ =	shalt  }
0x7e: {  	_ =	shalt  }
0x7f: {  	_ =	shalt  }
0x80: {  	_ =	shalt  }
0x81: {  	_ =	shalt  }
0x82: {  	_ =	shalt  }
0x83: {  	_ =	shalt  }
0x84: {  	_ =	shalt  }
0x85: {  	_ =	shalt  }
0x86: {  	_ =	shalt  }
0x87: {  	_ =	shalt  }
.Lfunc_end0:
.L_simem_size_0:
called_computation_lowered:
.L_overlay_start_0:
0x88: {  	s2 =	sld [smem:$0x3FD9]  }
0x89: {  	s3 =	sld [smem:$0x3FFE];
	_ =	sdelay $0x1  }
0x8a: {  	s1 =	srdreg.scid  }
0x8b: {  	s0 =	sand.u32 $0x1, s1  }
0x8c: {  	s18 =	sshll.u32 s0, $0xA;
	s2 =	sadd.s32 s3, s2  }
0x8d: {  	s2 =	sadd.s32 s2, s18  }
0x8e: {  	[smem:$0x3FC6] =	sst s2  }
0x8f: {  	_ = 	snop  }
0x90: {  	s2 =	sld [smem:$0x3FC9]  }
0x91: {  	s19 =	sld [smem:$0x3FC8]  }
0x92: {  	s4 =	sld [smem:$0x3FD0];
	(tm) =	ssettm $0x1  }
0x93: {  	s5 =	sld [smem:$0x3FFB];
	_ =	sdelay $0x3  }
0x94: {  	_ =	strace s5  }
0x95: {  	s5 =	sld [smem:$0x3FFC];
	_ =	sdelay $0x3  }
0x96: {  	_ =	strace s5  }
0x97: {  	s5 =	sld [smem:$0x3FFD];
	_ =	sdelay $0x3  }
0x98: {  	_ =	strace s5  }
0x99: {  	_ =	strace $0x8FFFFFFF  }
0x9a: {  	s20 =	sld [smem:$0x3FDB];
	_ =	sdelay $0x1  }
0x9b: {  	s6 =	simm.s32 $_scs_section_size  }
0x9c: {  	s7 =	simm.s32 $_size__tile_overlayer_lowered;
	s8 =	simm.s32 $_tile_overlayer_lowered  }
0x9d: {  	s23 =	simm.s32 $0x1BFF;
	s22 =	sshll.u32 s8, $0x1;
	s5 =	sadd.s32 s6, s20  }
0x9e: {  	s9 =	simm.s32 $0x0;
	s21 =	sshll.u32 s7, $0x1;
	s7 =	sadd.s32 s22, s5  }
0x9f: {  	[timem:s9], [sflag:s23] =	dma.local [hbm:s7], s21  }
0xa0: {  	_ =	swait.ge [sflag:s23], s21  }
0xa1: {  	s6 =	ssub.s32 $0x0, s21;
	[sflag:s23] =	ssyncset.done $0x0  }
0xa2: {  	[sflag:s23] =	ssyncadd.s32 s6;
	_ =	sdelay $0x1  }
0xa3: {  	s24 =	simm.s32 $0x1B8B  }
0xa4: {  	_ =	swait.ge [sflag:s24], $0x1  }
0xa5: {  	[sflag:s24] =	ssyncset.done $0x0  }
0xa6: {  	s25 =	simm.s32 $0x1B8E;
	[sflag:s24] =	ssyncadd.s32 $0xFFFFFFFF  }
0xa7: {  	s26 =	simm.s32 $execute0_lowered;
	[smem:$0x3FD2] =	sst s25  }
0xa8: {  	s6 =	sshll.u32 s26, $0x1;
	_ =	strace $0x80000046;
	[dreg:$0x1] =	wrdreg $0xFFFFFFFF  }
0xa9: {  	s28 =	simm.s32 $_size_execute0_lowered;
	s5 =	sadd.s32 s5, s6;
	[dreg:$0x0] =	wrdreg $0x0  }
0xaa: {  	s6 =	sshll.u32 s28, $0x1;
	[dreg:$0x2] =	wrdreg s5  }
0xab: {  	[dreg:$0x3] =	wrdreg s6  }
0xac: {  	[dreg:$0x4] =	wrdreg $0xC0  }
0xad: {  	_ =	task [dreg:s9], $0x5FFFF  }
0xae: {  	[dreg:$0x1] =	wrdreg $0xFFFFFFFF  }
0xaf: {  	[dreg:$0x0] =	wrdreg $0x60  }
0xb0: {  	[dreg:$0x2] =	wrdreg s2  }
0xb1: {  	[dreg:$0x3] =	wrdreg s19  }
0xb2: {  	[dreg:$0x4] =	wrdreg s4  }
0xb3: {  	[dreg:$0x5] =	wrdreg $0x9  }
0xb4: {  	_ =	task.clear_ibuf [dreg:s9], $0x6FFFF;
	_ =	strace $0x90000046  }
0xb5: {  	s29 =	simm.s32 $0x9;
	_ =	strace $0x80000048  }
0xb6: {  	_ =	swait.ge [sflag:s29], $0x1  }
0xb7: {  	[sflag:s29] =	ssyncadd.s32 $0xFFFFFFFF  }
0xb8: {  	_ =	strace $0x90000048  }
0xb9: {  	_ =	sfence  }
0xba: {  	s30 =	sld [smem:$0x0];
	_ =	sdelay $0x2  }
0xbb: {  	s31 =	sshll.u32 s1, $0xD;
	s1 =	sshrl.u32 s1, $0x2  }
0xbc: {  	s3 =	sand.u32 $0x4000, s31;
	s1 =	sadd.s32 s1, s30  }
0xbd: {  	s0 =	sor.u32 s3, s0;
	s1 =	sshll.u32 s1, $0x11  }
0xbe: {  	s0 =	sor.u32 s1, s0  }
0xbf: {  	s0 =	sadd.s32 $0x8F2B, s0  }
0xc0: {  	[sflag:s0] =	ssyncadd.remote.s32 $0x1  }
0xc1: {  	_ =	sfence.sel $0xFFFF  }
0xc2: {  	[dreg:$0x0] =	wrdreg $0xFFFFFFFF;
	(pc) =	sbr.abs _section_cstart, $3  }
0xc3: {  	[dreg:$0x1] =	wrdreg $0xFFFFFFFF  }
0xc4: {  	_ =	task.clear_ibuf [dreg:s9], $0x2FFFF;
	_ =	strace $0x9FFFFFFF  }
0xc5: {  	(tm) =	ssettm $0x7FFFFFFF  }
tec
execute0_lowered:
.L_overlay_start_1:
0x0: {  	(tag) =	ssettag $0x1  }
0x1: {  	s1 =	rddreg [dreg:$0x0]  }
0x2: {  	s0 =	srdreg.scid;
	s2 =	rddreg [dreg:$0x1]  }
0x3: {  	s4 =	stileid.u32;
	s3 =	rddreg [dreg:$0x2]  }
0x4: {  	s17 =	simm.s32 $0x6000;
	s18 =	simm.s32 $0xC000;
	s19 =	simm.s32 $0x12000  }
0x5: {  	s21 =	simm.s32 $0x1;
	s22 =	simm.s32 $0x18000;
	s23 =	simm.s32 $0x2  }
0x6: {  	s24 =	simm.s32 $0x3;
	s25 =	simm.s32 $0x4;
	s0 =	sand.u32 $0x1, s0  }
0x7: {  	s29 =	simm.s32 $0x7;
	s4 =	sshll.u32 s4, $0x3;
	s5 =	sshll.u32 s0, $0x2  }
0x8: {  	s30 =	simm.s32 $0x8;
	s0 =	ssub.s32 $0x2, s0;
	s5 =	sor.u32 s5, s4  }
0x9: {  	s4 =	simm.s32 $0x0;
	s6 =	sshrl.u32 s0, $0x1;
	s5 =	smul.u32 $0x1800, s5  }
0xa: {  	s31 =	simm.s32 $0x0;
	[smem:$0x7FF] =	sst s4;
	s0 =	ssub.s32 s0, s6  }
0xb: {  	_ =	strace $0x80000047;
	s0 =	smax.u32 s0, $0x1;
	s6 =	sadd.s32 $0xC0000, s5  }
0xc: {  	s8 =	sshrl.u32 s5, $0x3;
	s7 =	sadd.s32 $0x180000, s5;
	s12 =	sor.u32 $0x300000, s5  }
.Ltmp0:
0xd: {  	[dreg:$0x8] =	wrdreg s0;
	s10 =	sadd.s32 s1, s8;
	(pc) =	sbr.rel .LBB2_1-.Ltmp0, $4  }
0xe: {  	s9 =	sshrl.u32 s6, $0x3;
	s2 =	sadd.s32 s2, s8;
	[dreg:$0x4] =	wrdreg s10  }
0xf: {  	s28 =	sshrl.u32 s7, $0x3;
	s9 =	sadd.s32 s1, s9;
	[dreg:$0x7] =	wrdreg s2  }
0x10: {  	s13 =	sadd.s32 $0x240000, s5;
	[dreg:$0x5] =	wrdreg s9;
	s9 =	sadd.s32 s1, s28  }
0x11: {  	s14 =	sadd.s32 $0x3C0000, s5;
	s15 =	sadd.s32 $0x480000, s5;
	[dreg:$0x6] =	wrdreg s9  }
.LBB2_20:
0x12: {  	s0 =	simm.s32 $0x5  }
0x13: {  	_ =	swait.ge [sflag:s0], $0x6000  }
0x14: {  	[sflag:s0] =	ssyncset.done $0x0  }
0x15: {  	s26 =	simm.s32 $0x6;
	[sflag:s0] =	ssyncadd.s32 $0xFFFFA000  }
0x16: {  	_ =	swait.ge [sflag:s26], $0x6000  }
0x17: {  	[sflag:s26] =	ssyncset.done $0x0  }
0x18: {  	[sflag:s26] =	ssyncadd.s32 $0xFFFFA000  }
0x19: {  	_ =	swait.ge [sflag:s29], $0x6000  }
0x1a: {  	[sflag:s29] =	ssyncset.done $0x0  }
0x1b: {  	[sflag:s29] =	ssyncadd.s32 $0xFFFFA000  }
0x1c: {  	_ =	swait.ge [sflag:s30], $0x6000  }
0x1d: {  	s31 =	sadd.s32 $0x1, s31;
	s28 =	rddreg [dreg:$0x8]  }
0x1e: {  	p0 =	sne.s32 s31, s28  }
.Ltmp1:
0x1f: {  	_ = 	snop;
	(pc) =	sbr.rel @!p0 .LBB2_21-.Ltmp1, $3  }
0x20: {  	_ =	sdelay $0x1  }
0x21: {  	[sflag:s30] =	ssyncset.done $0x0  }
0x22: {  	[sflag:s30] =	ssyncadd.s32 $0xFFFFA000  }
.LBB2_1:
0x23: {  	s0 =	rddreg [dreg:$0x4]  }
0x24: {  	[tilespmem:s17], [sflag:$0x1] =	stream.linear.gather [hbm4b:s0+s4], $0x6000, $0x38;
	[tilespmem:$0x1E000] =	vst v63  }
0x25: {  	s16 =	rddreg [dreg:$0x5]  }
0x26: {  	[tilespmem:s18], [sflag:$0x2] =	stream.linear.gather [hbm4b:s16+s4], $0x6000, $0x38;
	[tilespmem:$0x1E000] =	vst v63  }
0x27: {  	s20 =	rddreg [dreg:$0x6]  }
0x28: {  	[tilespmem:s19], [sflag:$0x3] =	stream.linear.gather [hbm4b:s20+s4], $0x6000, $0x38;
	[tilespmem:$0x1E000] =	vst v63  }
0x29: {  	s26 =	rddreg [dreg:$0x7];
	s28 =	simm.s32 $0x9  }
0x2a: {  	[tilespmem:s4], [sflag:$0x9] =	stream.linear.gather [hbm4b:s26+s4], $0x6000, $0x38;
	[tilespmem:$0x1E000] =	vst v63  }
0x2b: {  	_ =	swait.ge [sflag:s28], $0x6000  }
0x2c: {  	[sflag:s28] =	ssyncset.done $0x0  }
0x2d: {  	s2 =	simm.s32 $0x0;
	[sflag:s28] =	ssyncadd.s32 $0xFFFFA000  }
.LBB2_2:
0x2e: {  	_ =	swait.ge [sflag:s21], $0x6000  }
0x2f: {  	[sflag:s21] =	ssyncset.done $0x0  }
0x30: {  	s0 =	simm.s32 $0x0;
	s8 =	simm.s32 $0x0;
	[sflag:s21] =	ssyncadd.s32 $0xFFFFA000  }
.LBB2_3:
0x31: {  	s9 =	sand.u32 $0x7, s0  }
0x32: {  	s9 =	sshll.u32 s9, $0x9  }
0x33: {  	s9 =	sshrl.u32 s9, $0x2  }
0x34: {  	s10 =	sshrl.u32 s8, $0x3;
	v0 =	vmov s9  }
0x35: {  	s10 =	smul.u32 $0x6000, s10;
	_ =	sdelay $0x1  }
0x36: {  	s10 =	sshra.s32 s10, $0x2  }
0x37: {  	s16 =	sor.u32 $0x40, s10  }
0x38: {  	v1 =	vld.idx.msk [tilespmem:v0+s16+$0x30 ss:$0x1], $0xffff  }
0x39: {  	v2 =	vld.idx.msk [tilespmem:v0+s16+$0xFFFFFFD0 ss:$0x1], $0xffff  }
0x3a: {  	v3 =	vld.idx.msk [tilespmem:v0+s16+$0xFFFFFFE0 ss:$0x1], $0xffff  }
0x3b: {  	v4 =	vld.idx.msk [tilespmem:v0+s16+$0xFFFFFFF0 ss:$0x1], $0xffff  }
0x3c: {  	v5 =	vld.idx.msk [tilespmem:v0+s16+$0x0 ss:$0x1], $0xffff  }
0x3d: {  	s10 =	sadd.s32 $0x6000, s10;
	v6 =	vld.idx.msk [tilespmem:v0+s16+$0x10 ss:$0x1], $0xffff  }
0x3e: {  	s20 =	sadd.s32 s9, s10;
	v7 =	vld.idx.msk [tilespmem:v0+s16+$0xFFFFFFC0 ss:$0x1], $0xffff  }
0x3f: {  	[tilespmem:s20+$0x70] =	vst.add.f32.msk $0xffff, v1  }
0x40: {  	v1 =	vld.idx.msk [tilespmem:v0+s16+$0x20 ss:$0x1], $0xffff  }
0x41: {  	[tilespmem:s20+$0x10] =	vst.add.f32.msk $0xffff, v2  }
0x42: {  	[tilespmem:s20+$0x20] =	vst.add.f32.msk $0xffff, v3  }
0x43: {  	[tilespmem:s20+$0x30] =	vst.add.f32.msk $0xffff, v4  }
0x44: {  	[tilespmem:s20+$0x40] =	vst.add.f32.msk $0xffff, v5  }
0x45: {  	[tilespmem:s20+$0x50] =	vst.add.f32.msk $0xffff, v6  }
0x46: {  	[tilespmem:s20+$0x0] =	vst.add.f32.msk $0xffff, v7  }
0x47: {  	s11 =	simm.s32 $0x0;
	s16 =	sadd.s32 $0x400, s16;
	[tilespmem:s20+$0x60] =	vst.add.f32.msk $0xffff, v1  }
.LBB2_4:
0x48: {  	v1 =	vld.idx.msk [tilespmem:v0+s16+$0x30 ss:$0x1], $0xffff;
	s11 =	sadd.s32 $0x80, s11  }
0x49: {  	v2 =	vld.idx.msk [tilespmem:v0+s16+$0xFFFFFFD0 ss:$0x1], $0xffff;
	p0 =	slt.u32 s11, $0x280  }
0x4a: {  	v3 =	vld.idx.msk [tilespmem:v0+s16+$0xFFFFFFE0 ss:$0x1], $0xffff  }
0x4b: {  	v4 =	vld.idx.msk [tilespmem:v0+s16+$0xFFFFFFF0 ss:$0x1], $0xffff  }
0x4c: {  	s10 =	sadd.s32 $0x400, s10;
	v5 =	vld.idx.msk [tilespmem:v0+s16+$0x0 ss:$0x1], $0xffff  }
0x4d: {  	s20 =	sadd.s32 s9, s10;
	v6 =	vld.idx.msk [tilespmem:v0+s16+$0x10 ss:$0x1], $0xffff  }
0x4e: {  	[tilespmem:s20+$0x70] =	vst.add.f32.msk $0xffff, v1  }
0x4f: {  	v1 =	vld.idx.msk [tilespmem:v0+s16+$0x20 ss:$0x1], $0xffff  }
0x50: {  	v7 =	vld.idx.msk [tilespmem:v0+s16+$0xFFFFFFC0 ss:$0x1], $0xffff  }
0x51: {  	[tilespmem:s20+$0x10] =	vst.add.f32.msk $0xffff, v2  }
0x52: {  	[tilespmem:s20+$0x20] =	vst.add.f32.msk $0xffff, v3  }
.Ltmp2:
0x53: {  	[tilespmem:s20+$0x30] =	vst.add.f32.msk $0xffff, v4;
	(pc) =	sbr.rel @p0 .LBB2_4-.Ltmp2, $4  }
0x54: {  	[tilespmem:s20+$0x40] =	vst.add.f32.msk $0xffff, v5  }
0x55: {  	[tilespmem:s20+$0x50] =	vst.add.f32.msk $0xffff, v6  }
0x56: {  	[tilespmem:s20+$0x0] =	vst.add.f32.msk $0xffff, v7  }
0x57: {  	s16 =	sadd.s32 $0x400, s16;
	[tilespmem:s20+$0x60] =	vst.add.f32.msk $0xffff, v1  }
0x58: {  	s8 =	sadd.s32 $0x1, s8  }
0x59: {  	p0 =	sne.s32 s8, $0x20  }
.Ltmp3:
0x5a: {  	_ = 	snop;
	(pc) =	sbr.rel @p0 .LBB2_3-.Ltmp3, $2  }
0x5b: {  	_ =	sdelay $0x2  }
0x5c: {  	s0 =	sadd.s32 $0x1, s0  }
0x5d: {  	s0 =	smul.u32 $0x300000, s2;
	_ =	sdelay $0x1  }
0x5e: {  	s8 =	sor.u32 s5, s0  }
0x5f: {  	p0 =	seq.s32 s2, $0x0;
	s8 =	sshrl.u32 s8, $0x3  }
0x60: {  	s9 =	simm.s32 @!p0 $0x8;
	s8 =	sadd.s32 s3, s8  }
0x61: {  	[hbm4b:s8+s4] =	stream.linear.scatter [tilespmem:s17], [sflag:$0x5], $0x6000, $0x38;
	[tilespmem:$0x1E000] =	vst v63  }
0x62: {  	s28 =	sadd.s32 s0, s13;
	_ =	swait.ge @!p0 [sflag:s9], $0x6000  }
0x63: {  	s8 =	sshrl.u32 s28, $0x3;
	[sflag:s9] =	ssyncset.done @!p0 $0x0  }
0x64: {  	s10 =	sadd.s32 s1, s8;
	[sflag:s9] =	ssyncadd.s32 @!p0 $0xFFFFA000;
	s9 =	simm.s32 $0x0  }
0x65: {  	[tilespmem:s22], [sflag:$0x4] =	stream.linear.gather [hbm4b:s10+s9], $0x6000, $0x38;
	[tilespmem:$0x1E000] =	vst v63  }
0x66: {  	_ =	swait.ge [sflag:s23], $0x6000  }
0x67: {  	[sflag:s23] =	ssyncset.done $0x0  }
0x68: {  	s10 =	simm.s32 $0x0;
	[sflag:s23] =	ssyncadd.s32 $0xFFFFA000  }
.LBB2_7:
0x69: {  	s11 =	sand.u32 $0x7, s9  }
0x6a: {  	s11 =	sshll.u32 s11, $0x9  }
0x6b: {  	s11 =	sshrl.u32 s11, $0x2  }
0x6c: {  	s16 =	sshrl.u32 s10, $0x3;
	v0 =	vmov s11  }
0x6d: {  	s16 =	smul.u32 $0x6000, s16;
	_ =	sdelay $0x1  }
0x6e: {  	s16 =	sshra.s32 s16, $0x2  }
0x6f: {  	s26 =	sor.u32 $0x40, s16  }
0x70: {  	v1 =	vld.idx.msk [tilespmem:v0+s26+$0x30 ss:$0x1], $0xffff  }
0x71: {  	v2 =	vld.idx.msk [tilespmem:v0+s26+$0xFFFFFFD0 ss:$0x1], $0xffff  }
0x72: {  	v3 =	vld.idx.msk [tilespmem:v0+s26+$0xFFFFFFE0 ss:$0x1], $0xffff  }
0x73: {  	v4 =	vld.idx.msk [tilespmem:v0+s26+$0xFFFFFFF0 ss:$0x1], $0xffff  }
0x74: {  	v5 =	vld.idx.msk [tilespmem:v0+s26+$0x0 ss:$0x1], $0xffff  }
0x75: {  	s16 =	sadd.s32 $0xC000, s16;
	v6 =	vld.idx.msk [tilespmem:v0+s26+$0x10 ss:$0x1], $0xffff  }
0x76: {  	s28 =	sadd.s32 s11, s16;
	v7 =	vld.idx.msk [tilespmem:v0+s26+$0xFFFFFFC0 ss:$0x1], $0xffff  }
0x77: {  	[tilespmem:s28+$0x70] =	vst.add.f32.msk $0xffff, v1  }
0x78: {  	v1 =	vld.idx.msk [tilespmem:v0+s26+$0x20 ss:$0x1], $0xffff  }
0x79: {  	[tilespmem:s28+$0x10] =	vst.add.f32.msk $0xffff, v2  }
0x7a: {  	[tilespmem:s28+$0x20] =	vst.add.f32.msk $0xffff, v3  }
0x7b: {  	[tilespmem:s28+$0x30] =	vst.add.f32.msk $0xffff, v4  }
0x7c: {  	[tilespmem:s28+$0x40] =	vst.add.f32.msk $0xffff, v5  }
0x7d: {  	[tilespmem:s28+$0x50] =	vst.add.f32.msk $0xffff, v6  }
0x7e: {  	[tilespmem:s28+$0x0] =	vst.add.f32.msk $0xffff, v7  }
0x7f: {  	s20 =	simm.s32 $0x0;
	s26 =	sadd.s32 $0x400, s26;
	[tilespmem:s28+$0x60] =	vst.add.f32.msk $0xffff, v1  }
.LBB2_8:
0x80: {  	v1 =	vld.idx.msk [tilespmem:v0+s26+$0x30 ss:$0x1], $0xffff;
	s20 =	sadd.s32 $0x80, s20  }
0x81: {  	v2 =	vld.idx.msk [tilespmem:v0+s26+$0xFFFFFFD0 ss:$0x1], $0xffff;
	p0 =	slt.u32 s20, $0x280  }
0x82: {  	v3 =	vld.idx.msk [tilespmem:v0+s26+$0xFFFFFFE0 ss:$0x1], $0xffff  }
0x83: {  	v4 =	vld.idx.msk [tilespmem:v0+s26+$0xFFFFFFF0 ss:$0x1], $0xffff  }
0x84: {  	s16 =	sadd.s32 $0x400, s16;
	v5 =	vld.idx.msk [tilespmem:v0+s26+$0x0 ss:$0x1], $0xffff  }
0x85: {  	s28 =	sadd.s32 s11, s16;
	v6 =	vld.idx.msk [tilespmem:v0+s26+$0x10 ss:$0x1], $0xffff  }
0x86: {  	[tilespmem:s28+$0x70] =	vst.add.f32.msk $0xffff, v1  }
0x87: {  	v1 =	vld.idx.msk [tilespmem:v0+s26+$0x20 ss:$0x1], $0xffff  }
0x88: {  	v7 =	vld.idx.msk [tilespmem:v0+s26+$0xFFFFFFC0 ss:$0x1], $0xffff  }
0x89: {  	[tilespmem:s28+$0x10] =	vst.add.f32.msk $0xffff, v2  }
0x8a: {  	[tilespmem:s28+$0x20] =	vst.add.f32.msk $0xffff, v3  }
.Ltmp4:
0x8b: {  	[tilespmem:s28+$0x30] =	vst.add.f32.msk $0xffff, v4;
	(pc) =	sbr.rel @p0 .LBB2_8-.Ltmp4, $4  }
0x8c: {  	[tilespmem:s28+$0x40] =	vst.add.f32.msk $0xffff, v5  }
0x8d: {  	[tilespmem:s28+$0x50] =	vst.add.f32.msk $0xffff, v6  }
0x8e: {  	[tilespmem:s28+$0x0] =	vst.add.f32.msk $0xffff, v7  }
0x8f: {  	s26 =	sadd.s32 $0x400, s26;
	[tilespmem:s28+$0x60] =	vst.add.f32.msk $0xffff, v1  }
0x90: {  	s10 =	sadd.s32 $0x1, s10  }
0x91: {  	p0 =	sne.s32 s10, $0x20  }
.Ltmp5:
0x92: {  	_ = 	snop;
	(pc) =	sbr.rel @p0 .LBB2_7-.Ltmp5, $2  }
0x93: {  	_ =	sdelay $0x2  }
0x94: {  	s9 =	sadd.s32 $0x1, s9  }
0x95: {  	s9 =	sadd.s32 s0, s6  }
0x96: {  	s9 =	sshrl.u32 s9, $0x3  }
0x97: {  	p0 =	seq.s32 s2, $0xF;
	s9 =	sadd.s32 s3, s9  }
0x98: {  	[hbm4b:s9+s4] =	stream.linear.scatter [tilespmem:s18], [sflag:$0x6], $0x6000, $0x38;
	[tilespmem:$0x1E000] =	vst v63  }
0x99: {  	s9 =	simm.s32 @!p0 $0x5  }
0x9a: {  	_ =	swait.ge @!p0 [sflag:s9], $0x6000  }
0x9b: {  	s10 =	sadd.s32 @!p0 s12, s0;
	[sflag:s9] =	ssyncset.done @!p0 $0x0  }
0x9c: {  	[sflag:s9] =	ssyncadd.s32 @!p0 $0xFFFFA000;
	s9 =	sshrl.u32 @!p0 s10, $0x3  }
0x9d: {  	s11 =	simm.s32 @!p0 $0x6000;
	s10 =	simm.s32 @!p0 $0x0;
	s9 =	sadd.s32 @!p0 s1, s9  }
0x9e: {  	[tilespmem:s11], [sflag:$0x1] =	stream.linear.gather @!p0 [hbm4b:s9+s10], $0x6000, $0x38;
	[tilespmem:$0x1E000] =	vst v63  }
0x9f: {  	_ =	swait.ge [sflag:s24], $0x6000  }
0xa0: {  	[sflag:s24] =	ssyncset.done $0x0  }
0xa1: {  	s9 =	simm.s32 $0x0;
	s10 =	simm.s32 $0x0;
	[sflag:s24] =	ssyncadd.s32 $0xFFFFA000  }
.LBB2_11:
0xa2: {  	s11 =	sand.u32 $0x7, s9  }
0xa3: {  	s11 =	sshll.u32 s11, $0x9  }
0xa4: {  	s11 =	sshrl.u32 s11, $0x2  }
0xa5: {  	s16 =	sshrl.u32 s10, $0x3;
	v0 =	vmov s11  }
0xa6: {  	s16 =	smul.u32 $0x6000, s16;
	_ =	sdelay $0x1  }
0xa7: {  	s16 =	sshra.s32 s16, $0x2  }
0xa8: {  	s26 =	sor.u32 $0x40, s16  }
0xa9: {  	v1 =	vld.idx.msk [tilespmem:v0+s26+$0x30 ss:$0x1], $0xffff  }
0xaa: {  	v2 =	vld.idx.msk [tilespmem:v0+s26+$0xFFFFFFD0 ss:$0x1], $0xffff  }
0xab: {  	v3 =	vld.idx.msk [tilespmem:v0+s26+$0xFFFFFFE0 ss:$0x1], $0xffff  }
0xac: {  	v4 =	vld.idx.msk [tilespmem:v0+s26+$0xFFFFFFF0 ss:$0x1], $0xffff  }
0xad: {  	v5 =	vld.idx.msk [tilespmem:v0+s26+$0x0 ss:$0x1], $0xffff  }
0xae: {  	s16 =	sadd.s32 $0x12000, s16;
	v6 =	vld.idx.msk [tilespmem:v0+s26+$0x10 ss:$0x1], $0xffff  }
0xaf: {  	s28 =	sadd.s32 s11, s16;
	v7 =	vld.idx.msk [tilespmem:v0+s26+$0xFFFFFFC0 ss:$0x1], $0xffff  }
0xb0: {  	[tilespmem:s28+$0x70] =	vst.add.f32.msk $0xffff, v1  }
0xb1: {  	v1 =	vld.idx.msk [tilespmem:v0+s26+$0x20 ss:$0x1], $0xffff  }
0xb2: {  	[tilespmem:s28+$0x10] =	vst.add.f32.msk $0xffff, v2  }
0xb3: {  	[tilespmem:s28+$0x20] =	vst.add.f32.msk $0xffff, v3  }
0xb4: {  	[tilespmem:s28+$0x30] =	vst.add.f32.msk $0xffff, v4  }
0xb5: {  	[tilespmem:s28+$0x40] =	vst.add.f32.msk $0xffff, v5  }
0xb6: {  	[tilespmem:s28+$0x50] =	vst.add.f32.msk $0xffff, v6  }
0xb7: {  	[tilespmem:s28+$0x0] =	vst.add.f32.msk $0xffff, v7  }
0xb8: {  	s20 =	simm.s32 $0x0;
	s26 =	sadd.s32 $0x400, s26;
	[tilespmem:s28+$0x60] =	vst.add.f32.msk $0xffff, v1  }
.LBB2_12:
0xb9: {  	v1 =	vld.idx.msk [tilespmem:v0+s26+$0x30 ss:$0x1], $0xffff;
	s20 =	sadd.s32 $0x80, s20  }
0xba: {  	v2 =	vld.idx.msk [tilespmem:v0+s26+$0xFFFFFFD0 ss:$0x1], $0xffff;
	p1 =	slt.u32 s20, $0x280  }
0xbb: {  	v3 =	vld.idx.msk [tilespmem:v0+s26+$0xFFFFFFE0 ss:$0x1], $0xffff  }
0xbc: {  	v4 =	vld.idx.msk [tilespmem:v0+s26+$0xFFFFFFF0 ss:$0x1], $0xffff  }
0xbd: {  	s16 =	sadd.s32 $0x400, s16;
	v5 =	vld.idx.msk [tilespmem:v0+s26+$0x0 ss:$0x1], $0xffff  }
0xbe: {  	s28 =	sadd.s32 s11, s16;
	v6 =	vld.idx.msk [tilespmem:v0+s26+$0x10 ss:$0x1], $0xffff  }
0xbf: {  	[tilespmem:s28+$0x70] =	vst.add.f32.msk $0xffff, v1  }
0xc0: {  	v1 =	vld.idx.msk [tilespmem:v0+s26+$0x20 ss:$0x1], $0xffff  }
0xc1: {  	v7 =	vld.idx.msk [tilespmem:v0+s26+$0xFFFFFFC0 ss:$0x1], $0xffff  }
0xc2: {  	[tilespmem:s28+$0x10] =	vst.add.f32.msk $0xffff, v2  }
0xc3: {  	[tilespmem:s28+$0x20] =	vst.add.f32.msk $0xffff, v3  }
.Ltmp6:
0xc4: {  	[tilespmem:s28+$0x30] =	vst.add.f32.msk $0xffff, v4;
	(pc) =	sbr.rel @p1 .LBB2_12-.Ltmp6, $4  }
0xc5: {  	[tilespmem:s28+$0x40] =	vst.add.f32.msk $0xffff, v5  }
0xc6: {  	[tilespmem:s28+$0x50] =	vst.add.f32.msk $0xffff, v6  }
0xc7: {  	[tilespmem:s28+$0x0] =	vst.add.f32.msk $0xffff, v7  }
0xc8: {  	s26 =	sadd.s32 $0x400, s26;
	[tilespmem:s28+$0x60] =	vst.add.f32.msk $0xffff, v1  }
0xc9: {  	s10 =	sadd.s32 $0x1, s10  }
0xca: {  	p1 =	sne.s32 s10, $0x20  }
.Ltmp7:
0xcb: {  	_ = 	snop;
	(pc) =	sbr.rel @p1 .LBB2_11-.Ltmp7, $2  }
0xcc: {  	_ =	sdelay $0x2  }
0xcd: {  	s9 =	sadd.s32 $0x1, s9  }
0xce: {  	s9 =	sadd.s32 s0, s7  }
0xcf: {  	s9 =	sshrl.u32 s9, $0x3  }
0xd0: {  	s9 =	sadd.s32 s3, s9  }
0xd1: {  	[hbm4b:s9+s4] =	stream.linear.scatter [tilespmem:s19], [sflag:$0x7], $0x6000, $0x38;
	[tilespmem:$0x1E000] =	vst v63  }
0xd2: {  	s9 =	simm.s32 @!p0 $0x6  }
0xd3: {  	_ =	swait.ge @!p0 [sflag:s9], $0x6000  }
0xd4: {  	s10 =	sadd.s32 @!p0 s0, s14;
	[sflag:s9] =	ssyncset.done @!p0 $0x0  }
0xd5: {  	[sflag:s9] =	ssyncadd.s32 @!p0 $0xFFFFA000;
	s9 =	sshrl.u32 @!p0 s10, $0x3  }
0xd6: {  	s11 =	simm.s32 @!p0 $0xC000;
	s10 =	simm.s32 @!p0 $0x0;
	s9 =	sadd.s32 @!p0 s1, s9  }
0xd7: {  	[tilespmem:s11], [sflag:$0x2] =	stream.linear.gather @!p0 [hbm4b:s9+s10], $0x6000, $0x38;
	[tilespmem:$0x1E000] =	vst v63  }
0xd8: {  	_ =	swait.ge [sflag:s25], $0x6000  }
0xd9: {  	[sflag:s25] =	ssyncset.done $0x0  }
0xda: {  	s9 =	simm.s32 $0x0;
	s10 =	simm.s32 $0x0;
	[sflag:s25] =	ssyncadd.s32 $0xFFFFA000  }
.LBB2_15:
0xdb: {  	s11 =	sand.u32 $0x7, s9  }
0xdc: {  	s11 =	sshll.u32 s11, $0x9  }
0xdd: {  	s11 =	sshrl.u32 s11, $0x2  }
0xde: {  	s16 =	sshrl.u32 s10, $0x3;
	v0 =	vmov s11  }
0xdf: {  	s16 =	smul.u32 $0x6000, s16;
	_ =	sdelay $0x1  }
0xe0: {  	s16 =	sshra.s32 s16, $0x2  }
0xe1: {  	s26 =	sor.u32 $0x40, s16  }
0xe2: {  	v1 =	vld.idx.msk [tilespmem:v0+s26+$0x30 ss:$0x1], $0xffff  }
0xe3: {  	v2 =	vld.idx.msk [tilespmem:v0+s26+$0xFFFFFFD0 ss:$0x1], $0xffff  }
0xe4: {  	v3 =	vld.idx.msk [tilespmem:v0+s26+$0xFFFFFFE0 ss:$0x1], $0xffff  }
0xe5: {  	v4 =	vld.idx.msk [tilespmem:v0+s26+$0xFFFFFFF0 ss:$0x1], $0xffff  }
0xe6: {  	v5 =	vld.idx.msk [tilespmem:v0+s26+$0x0 ss:$0x1], $0xffff  }
0xe7: {  	s16 =	sadd.s32 $0x18000, s16;
	v6 =	vld.idx.msk [tilespmem:v0+s26+$0x10 ss:$0x1], $0xffff  }
0xe8: {  	s28 =	sadd.s32 s11, s16;
	v7 =	vld.idx.msk [tilespmem:v0+s26+$0xFFFFFFC0 ss:$0x1], $0xffff  }
0xe9: {  	[tilespmem:s28+$0x70] =	vst.add.f32.msk $0xffff, v1  }
0xea: {  	v1 =	vld.idx.msk [tilespmem:v0+s26+$0x20 ss:$0x1], $0xffff  }
0xeb: {  	[tilespmem:s28+$0x10] =	vst.add.f32.msk $0xffff, v2  }
0xec: {  	[tilespmem:s28+$0x20] =	vst.add.f32.msk $0xffff, v3  }
0xed: {  	[tilespmem:s28+$0x30] =	vst.add.f32.msk $0xffff, v4  }
0xee: {  	[tilespmem:s28+$0x40] =	vst.add.f32.msk $0xffff, v5  }
0xef: {  	[tilespmem:s28+$0x50] =	vst.add.f32.msk $0xffff, v6  }
0xf0: {  	[tilespmem:s28+$0x0] =	vst.add.f32.msk $0xffff, v7  }
0xf1: {  	s20 =	simm.s32 $0x0;
	s26 =	sadd.s32 $0x400, s26;
	[tilespmem:s28+$0x60] =	vst.add.f32.msk $0xffff, v1  }
.LBB2_16:
0xf2: {  	v1 =	vld.idx.msk [tilespmem:v0+s26+$0x30 ss:$0x1], $0xffff;
	s20 =	sadd.s32 $0x80, s20  }
0xf3: {  	v2 =	vld.idx.msk [tilespmem:v0+s26+$0xFFFFFFD0 ss:$0x1], $0xffff;
	p1 =	slt.u32 s20, $0x280  }
0xf4: {  	v3 =	vld.idx.msk [tilespmem:v0+s26+$0xFFFFFFE0 ss:$0x1], $0xffff  }
0xf5: {  	v4 =	vld.idx.msk [tilespmem:v0+s26+$0xFFFFFFF0 ss:$0x1], $0xffff  }
0xf6: {  	s16 =	sadd.s32 $0x400, s16;
	v5 =	vld.idx.msk [tilespmem:v0+s26+$0x0 ss:$0x1], $0xffff  }
0xf7: {  	s28 =	sadd.s32 s11, s16;
	v6 =	vld.idx.msk [tilespmem:v0+s26+$0x10 ss:$0x1], $0xffff  }
0xf8: {  	[tilespmem:s28+$0x70] =	vst.add.f32.msk $0xffff, v1  }
0xf9: {  	v1 =	vld.idx.msk [tilespmem:v0+s26+$0x20 ss:$0x1], $0xffff  }
0xfa: {  	v7 =	vld.idx.msk [tilespmem:v0+s26+$0xFFFFFFC0 ss:$0x1], $0xffff  }
0xfb: {  	[tilespmem:s28+$0x10] =	vst.add.f32.msk $0xffff, v2  }
0xfc: {  	[tilespmem:s28+$0x20] =	vst.add.f32.msk $0xffff, v3  }
.Ltmp8:
0xfd: {  	[tilespmem:s28+$0x30] =	vst.add.f32.msk $0xffff, v4;
	(pc) =	sbr.rel @p1 .LBB2_16-.Ltmp8, $4  }
0xfe: {  	[tilespmem:s28+$0x40] =	vst.add.f32.msk $0xffff, v5  }
0xff: {  	[tilespmem:s28+$0x50] =	vst.add.f32.msk $0xffff, v6  }
0x100: {  	[tilespmem:s28+$0x0] =	vst.add.f32.msk $0xffff, v7  }
0x101: {  	s26 =	sadd.s32 $0x400, s26;
	[tilespmem:s28+$0x60] =	vst.add.f32.msk $0xffff, v1  }
0x102: {  	s10 =	sadd.s32 $0x1, s10  }
0x103: {  	p1 =	sne.s32 s10, $0x20  }
.Ltmp9:
0x104: {  	_ = 	snop;
	(pc) =	sbr.rel @p1 .LBB2_15-.Ltmp9, $2  }
0x105: {  	_ =	sdelay $0x2  }
0x106: {  	s9 =	sadd.s32 $0x1, s9  }
.Ltmp10:
0x107: {  	(pc) =	sbr.rel @p0 .LBB2_20-.Ltmp10, $3  }
0x108: {  	_ =	sdelay $0x1  }
0x109: {  	s8 =	sadd.s32 s3, s8  }
0x10a: {  	[hbm4b:s8+s4] =	stream.linear.scatter [tilespmem:s22], [sflag:$0x8], $0x6000, $0x38;
	[tilespmem:$0x1E000] =	vst v63  }
.Ltmp11:
0x10b: {  	(pc) =	sbr.rel .LBB2_2-.Ltmp11, $4  }
0x10c: {  	_ =	swait.ge [sflag:s29], $0x6000;
	s0 =	sadd.s32 s0, s15  }
0x10d: {  	[sflag:s29] =	ssyncset.done $0x0;
	s0 =	sshrl.u32 s0, $0x3  }
0x10e: {  	s2 =	sadd.s32 $0x1, s2;
	[sflag:s29] =	ssyncadd.s32 $0xFFFFA000;
	s0 =	sadd.s32 s1, s0  }
0x10f: {  	[tilespmem:s19], [sflag:$0x3] =	stream.linear.gather [hbm4b:s0+s4], $0x6000, $0x38;
	[tilespmem:$0x1E000] =	vst v63  }
.LBB2_21:
0x110: {  	_ =	sfence.sel $0x180000  }
0x111: {  	[bflag:$0x0] =	sbarrier.arrive $0xFFFF  }
0x112: {  	_ =	strace $0x90000047  }
0x113: {  	s0 =	stileid.u32;
	[bflag:$0x2] =	sbarrier.arrive $0xFFFF  }
0x114: {  	p0 =	sne.s32 s0, $0x0;
	s0 =	rddreg [dreg:$0x3]  }
0x115: {  	s0 =	sadd.s32 @!p0 $0x100000, s0  }
0x116: {  	[sflag:s0] =	ssyncadd.tile.s32 @!p0 $0x1;
	_ =	shalt  }
.Lfunc_end2:
_tile_overlayer_lowered:
.L_overlay_start_2:
0x117: {  	(tag) =	ssettag $0x2  }
0x118: {  	s0 =	rddreg [dreg:$0x0];
	s2 =	stileid.u32  }
0x119: {  	s1 =	rddreg [dreg:$0x1];
	p0 =	sne.s32 s2, $0x0  }
0x11a: {  	s3 =	rddreg [dreg:$0x2];
	[bflag:$0x3] =	sbarrier.arrive $0xFFFF;
	s2 =	simm.s32 @!p0 $0x1C09  }
0x11b: {  	[timem:s3], [sflag:s2] =	dma.local @!p0 [hbm:s0], s1  }
0x11c: {  	s0 =	simm.s32 @!p0 $0x9  }
0x11d: {  	_ =	swait.ge @!p0 [sflag:s0], s1  }
0x11e: {  	s1 =	ssub.s32 @!p0 $0x0, s1;
	[sflag:s0] =	ssyncset.done @!p0 $0x0  }
0x11f: {  	[sflag:s0] =	ssyncadd.s32 @!p0 s1  }
0x120: {  	[bflag:$0x3] =	sbarrier.arrive $0xFFFF  }
0x121: {  	_ =	shalt  }

</sc_bundles>
